<compile_context>
chip_gen: v7x
topology: tpu7x:2x2x1
jax: 0.10.2.dev20260603
libtpu: 0.0.44.dev20260713+nightly
codegen_flags: <defaults>
</compile_context>

<pallas_src>
import functools

import jax
import jax.numpy as jnp
import numpy as np
from jax import lax
from jax.experimental import pallas as pl
from jax.experimental.pallas import tpu as pltpu
from jax.experimental.pallas import tpu_sc as plsc

_NUM_FIELDS = 26
_EMBED_DIM = 16
_FEATURE_DIM = 416
_BATCH = 4096
_FIELD_SIZE = 38462
_TOTAL_ROWS = _NUM_FIELDS * _FIELD_SIZE
_B_FLAT = _BATCH * _NUM_FIELDS

_NW = 32
_N_PER_W = _B_FLAT // _NW
_CHUNK = 128
_N_CHUNKS = _N_PER_W // _CHUNK
_L = 16

_OFF_FLAT = np.tile(
    np.arange(_NUM_FIELDS, dtype=np.int32) * _FIELD_SIZE, _N_PER_W // _NUM_FIELDS
)


@functools.cache
def _make_sc_gather():
    mesh = plsc.VectorSubcoreMesh(core_axis_name="c", subcore_axis_name="s")

    @functools.partial(
        pl.kernel,
        mesh=mesh,
        compiler_params=pltpu.CompilerParams(use_tc_tiling_on_sc=False),
        out_type=[
            jax.ShapeDtypeStruct((_B_FLAT, _EMBED_DIM), jnp.float32),
            jax.ShapeDtypeStruct((_B_FLAT, _EMBED_DIM), jnp.float32),
        ],
        scratch_types=[
            pltpu.VMEM((_N_PER_W,), jnp.int32),
            pltpu.VMEM((_N_PER_W,), jnp.int32),
            pltpu.VMEM((_N_PER_W, _EMBED_DIM), jnp.float32),
            pltpu.SemaphoreType.DMA,
        ],
    )
    def gather_k(ids_hbm, off_hbm, emb1_hbm, emb2_hbm, out1_hbm, out2_hbm,
                 idx_v, off_v, rows_v, sem):
        wid = lax.axis_index("s") * 2 + lax.axis_index("c")
        base = wid * _N_PER_W
        pltpu.sync_copy(ids_hbm.at[pl.ds(base, _N_PER_W)], idx_v)
        pltpu.sync_copy(off_hbm, off_v)

        def add_off(c, carry):
            sl = pl.ds(c * _L, _L)
            idx_v[sl] = idx_v[sl] + off_v[sl]
            return carry

        lax.fori_loop(0, _N_PER_W // _L, add_off, 0)

        for tbl, out in ((emb1_hbm, out1_hbm), (emb2_hbm, out2_hbm)):
            copies = []
            for j in range(_N_CHUNKS):
                copies.append(
                    pltpu.async_copy(
                        tbl.at[idx_v.at[pl.ds(j * _CHUNK, _CHUNK)]],
                        rows_v.at[pl.ds(j * _CHUNK, _CHUNK)],
                        sem,
                    )
                )
            for cp in copies:
                cp.wait()
            pltpu.sync_copy(rows_v, out.at[pl.ds(base, _N_PER_W)])

    return gather_k


_BM = 512


def _dense_body(fs1_ref, fs2_ref, flat_ref, w1_ref, b1_ref, w2_ref, b2_ref,
                o1_ref, o2_ref):
    flat = flat_ref[...]
    g1 = jax.nn.sigmoid(
        jnp.dot(fs1_ref[...], w1_ref[...], preferred_element_type=jnp.float32)
        + b1_ref[...]
    )
    o1_ref[...] = flat * (2.0 * g1)
    g2 = jax.nn.sigmoid(
        jnp.dot(fs2_ref[...], w2_ref[...], preferred_element_type=jnp.float32)
        + b2_ref[...]
    )
    o2_ref[...] = flat * (2.0 * g2)


def _dense(fs1, fs2, flat_emb, W1, b1, W2, b2):
    grid = (_BATCH // _BM,)
    row_spec = pl.BlockSpec((_BM, _FEATURE_DIM), lambda i: (i, 0))
    full_spec = pl.BlockSpec((_FEATURE_DIM, _FEATURE_DIM), lambda i: (0, 0))
    bias_spec = pl.BlockSpec((1, _FEATURE_DIM), lambda i: (0, 0))
    return pl.pallas_call(
        _dense_body,
        grid=grid,
        in_specs=[row_spec, row_spec, row_spec, full_spec, bias_spec,
                  full_spec, bias_spec],
        out_specs=[row_spec, row_spec],
        out_shape=[
            jax.ShapeDtypeStruct((_BATCH, _FEATURE_DIM), jnp.float32),
            jax.ShapeDtypeStruct((_BATCH, _FEATURE_DIM), jnp.float32),
        ],
    )(fs1, fs2, flat_emb, W1, b1, W2, b2)


@jax.jit
def kernel(input_ids, flat_emb, emb1, emb2, W1, b1, W2, b2):
    ids_flat = input_ids.reshape(_B_FLAT)
    fs1_flat, fs2_flat = _make_sc_gather()(ids_flat, _OFF_FLAT, emb1, emb2)
    fs1 = fs1_flat.reshape(_BATCH, _FEATURE_DIM)
    fs2 = fs2_flat.reshape(_BATCH, _FEATURE_DIM)
    o1, o2 = _dense(fs1, fs2, flat_emb, W1,
                    b1.reshape(1, _FEATURE_DIM), W2, b2.reshape(1, _FEATURE_DIM))
    return (o1, o2)

# --- scband reference (transcript-rebuilt; emitter-appended) ---
"""Pipeline reference for scband-feature-selection-29755533427596 (READ-ONLY COPY).

The authoritative reference and input builder live on the scoring server;
editing this copy changes nothing except your own understanding.
"""

import jax, jax.numpy as jnp
import numpy as np

FIELD_DIMS = [38462] * 26
NUM_FIELDS = 26
EMBED_DIM = 16
FEATURE_DIM = 416
BATCH = 4096
TOTAL_ROWS = sum(FIELD_DIMS)
OFFSETS = jnp.asarray(np.concatenate(([0], np.cumsum(FIELD_DIMS)[:-1])).astype(np.int32))


def setup_inputs(seed: int = 0) -> dict:
    key = jax.random.key(seed)
    k1, k2, k3, k4, k5, k6 = jax.random.split(key, 6)
    input_ids = jax.random.randint(k1, (BATCH, NUM_FIELDS), 0, 38462, dtype=jnp.int32)
    flat_emb = jax.random.normal(k2, (BATCH, FEATURE_DIM), dtype=jnp.float32)
    emb1 = jax.random.normal(k3, (TOTAL_ROWS, EMBED_DIM), dtype=jnp.float32) * 0.01
    emb2 = jax.random.normal(k4, (TOTAL_ROWS, EMBED_DIM), dtype=jnp.float32) * 0.01
    W1 = jax.random.normal(k5, (NUM_FIELDS * EMBED_DIM, FEATURE_DIM), dtype=jnp.float32) * 0.05
    b1 = jnp.zeros((FEATURE_DIM,), dtype=jnp.float32)
    W2 = jax.random.normal(k6, (NUM_FIELDS * EMBED_DIM, FEATURE_DIM), dtype=jnp.float32) * 0.05
    b2 = jnp.zeros((FEATURE_DIM,), dtype=jnp.float32)
    return {"input_ids": input_ids, "flat_emb": flat_emb, "emb1": emb1, "emb2": emb2, "W1": W1, "b1": b1, "W2": W2, "b2": b2}


def reference(input_ids, flat_emb, emb1, emb2, W1, b1, W2, b2):
    # FeaturesEmbedding: per-field offsets added to ids, then single-table gather
    ids = input_ids + OFFSETS[None, :]
    fs1_input = jnp.take(emb1, ids, axis=0).reshape(ids.shape[0], -1)
    gt1 = jax.nn.sigmoid(fs1_input @ W1 + b1) * 2.0
    feature1 = flat_emb * gt1
    fs2_input = jnp.take(emb2, ids, axis=0).reshape(ids.shape[0], -1)
    gt2 = jax.nn.sigmoid(fs2_input @ W2 + b2) * 2.0
    feature2 = flat_emb * gt2
    return (feature1, feature2)

if __name__ == "__main__":
    import jax
    _d = setup_inputs()
    print(jax.jit(kernel)(*tuple(_d.values())))

</pallas_src>

<mosaic_0001>
#map = affine_map<(d0, d1) -> (0)>
#map1 = affine_map<(d0, d1) -> (0, 0)>
module attributes {stable_mosaic.version = 14 : i64} {
  func.func @gather_k(%arg0: i32, %arg1: i32, %arg2: memref<106496xi32, #tpu.memory_space<hbm>>, %arg3: memref<3328xi32, #tpu.memory_space<hbm>>, %arg4: memref<1000012x16xf32, #tpu.memory_space<hbm>>, %arg5: memref<1000012x16xf32, #tpu.memory_space<hbm>>, %arg6: memref<106496x16xf32, #tpu.memory_space<hbm>>, %arg7: memref<106496x16xf32, #tpu.memory_space<hbm>>, %arg8: memref<3328xi32, #tpu.memory_space<vmem>>, %arg9: memref<3328xi32, #tpu.memory_space<vmem>>, %arg10: memref<3328x16xf32, #tpu.memory_space<vmem>>, %arg11: memref<!tpu.dma_semaphore, #tpu.memory_space<semaphore_mem>>) attributes {dimension_semantics = [#tpu.dimension_semantics<core_parallel>, #tpu.dimension_semantics<subcore_parallel>], iteration_bounds = array<i64: 2, 16>, scalar_prefetch = 0 : i64, scratch_operands = 4 : i64, tpu.core_type = #tpu.core_type<sc_vector_subcore>, window_params = [{transform_indices = #map}, {transform_indices = #map}, {transform_indices = #map1}, {transform_indices = #map1}, {transform_indices = #map1}, {transform_indices = #map1}]} {
    %mul3A = arith.constant 2 : i32
    %mul3A_0 = arith.muli %arg1, %mul3A : i32
    %add3A = arith.addi %mul3A_0, %arg0 : i32
    %mul3A_1 = arith.constant 3328 : i32
    %mul3A_2 = arith.muli %add3A, %mul3A_1 : i32
    "tpu.region"() ({
      %run_scoped3A = tpu.sem_alloc : memref<!tpu.dma_semaphore, #tpu.memory_space<semaphore_mem>>
      %dma_start3A_838 = tpu.memref_slice %arg2[%mul3A_2] : memref<106496xi32, #tpu.memory_space<hbm>> -> memref<3328xi32, #tpu.memory_space<hbm>>
      %dma_start3A_839 = tpu.memref_slice %arg2[%mul3A_2] : memref<106496xi32, #tpu.memory_space<hbm>> -> memref<3328xi32, #tpu.memory_space<hbm>>
      tpu.enqueue_dma source(%dma_start3A_839 : memref<3328xi32, #tpu.memory_space<hbm>>) target(%arg8 : memref<3328xi32, #tpu.memory_space<vmem>>) target_semaphore(%run_scoped3A : memref<!tpu.dma_semaphore, #tpu.memory_space<semaphore_mem>>)
      %dma_wait3A_840 = tpu.memref_slice %arg2[%mul3A_2] : memref<106496xi32, #tpu.memory_space<hbm>> -> memref<3328xi32, #tpu.memory_space<hbm>>
      %dma_wait3A_841 = tpu.memref_slice %arg2[%mul3A_2] : memref<106496xi32, #tpu.memory_space<hbm>> -> memref<3328xi32, #tpu.memory_space<hbm>>
      tpu.wait_dma2 semaphore(%run_scoped3A : memref<!tpu.dma_semaphore, #tpu.memory_space<semaphore_mem>>) src(%dma_wait3A_841 : memref<3328xi32, #tpu.memory_space<hbm>>) dst(%arg8 : memref<3328xi32, #tpu.memory_space<vmem>>)
      tpu.yield
    }) : () -> ()
    "tpu.region"() ({
      %run_scoped3A = tpu.sem_alloc : memref<!tpu.dma_semaphore, #tpu.memory_space<semaphore_mem>>
      tpu.enqueue_dma source(%arg3 : memref<3328xi32, #tpu.memory_space<hbm>>) target(%arg9 : memref<3328xi32, #tpu.memory_space<vmem>>) target_semaphore(%run_scoped3A : memref<!tpu.dma_semaphore, #tpu.memory_space<semaphore_mem>>)
      tpu.wait_dma2 semaphore(%run_scoped3A : memref<!tpu.dma_semaphore, #tpu.memory_space<semaphore_mem>>) src(%arg3 : memref<3328xi32, #tpu.memory_space<hbm>>) dst(%arg9 : memref<3328xi32, #tpu.memory_space<vmem>>)
      tpu.yield
    }) : () -> ()
    %scan3A = arith.constant 0 : i32
    %scan3A_3 = arith.constant 0 : i32
    %scan3A_4 = arith.constant 208 : i32
    %scan3A_5 = arith.addi %scan3A_3, %scan3A_4 : i32
    %scan3A_6 = arith.constant 1 : i32
    scf.for %scan3A_838 = %scan3A_3 to %scan3A_5 step %scan3A_6  : i32 {
      %mul3A_839 = arith.constant 16 : i32
      %mul3A_840 = arith.muli %scan3A_838, %mul3A_839 : i32
      %get3A = arith.index_cast %mul3A_840 : i32 to index
      %get3A_841 = tpu.vector_load %arg8[%get3A] {strides = array<i32>} : memref<3328xi32, #tpu.memory_space<vmem>>, vector<16xi32>,
      %get3A_842 = vector.shape_cast %get3A_841 : vector<16xi32> to vector<16xi32>
      %get3A_843 = arith.index_cast %mul3A_840 : i32 to index
      %get3A_844 = tpu.vector_load %arg9[%get3A_843] {strides = array<i32>} : memref<3328xi32, #tpu.memory_space<vmem>>, vector<16xi32>,
      %get3A_845 = vector.shape_cast %get3A_844 : vector<16xi32> to vector<16xi32>
      %add3A_846 = arith.addi %get3A_842, %get3A_845 : vector<16xi32>
      %swap3A = arith.index_cast %mul3A_840 : i32 to index
      %swap3A_847 = tpu.vector_load %arg8[%swap3A] {strides = array<i32>} : memref<3328xi32, #tpu.memory_space<vmem>>, vector<16xi32>,
      %swap3A_848 = vector.shape_cast %swap3A_847 : vector<16xi32> to vector<16xi32>
      %swap3A_849 = vector.shape_cast %add3A_846 : vector<16xi32> to vector<16xi32>
      tpu.vector_store %arg8[%swap3A], %swap3A_849 {strides = array<i32>} : memref<3328xi32, #tpu.memory_space<vmem>>, vector<16xi32>,
    }
    %scan3A_7 = arith.constant 208 : i32
    %dma_start3A = arith.constant 0 : i32
    %dma_start3A_8 = arith.constant 0 : i32
    %dma_start3A_9 = tpu.memref_slice %arg10[%dma_start3A, %dma_start3A_8] : memref<3328x16xf32, #tpu.memory_space<vmem>> -> memref<128x16xf32, #tpu.memory_space<vmem>>
    %dma_start3A_10 = arith.constant 0 : i32
    %dma_start3A_11 = tpu.memref_slice %arg8[%dma_start3A_10] : memref<3328xi32, #tpu.memory_space<vmem>> -> memref<128xi32, #tpu.memory_space<vmem>>
    %dma_start3A_12 = arith.constant 0 : i32
    %dma_start3A_13 = arith.constant 0 : i32
    %dma_start3A_14 = tpu.memref_slice %arg4[%dma_start3A_12, %dma_start3A_13] : memref<1000012x16xf32, #tpu.memory_space<hbm>> -> memref<1000012x16xf32, #tpu.memory_space<hbm>>
    tpu.enqueue_indirect_dma source(%dma_start3A_14 : memref<1000012x16xf32, #tpu.memory_space<hbm>>) target(%dma_start3A_9 : memref<128x16xf32, #tpu.memory_space<vmem>>) offsets(%dma_start3A_11 : memref<128xi32, #tpu.memory_space<vmem>>) semaphore(%arg11 : memref<!tpu.dma_semaphore, #tpu.memory_space<semaphore_mem>>)
    %dma_start3A_15 = arith.constant 128 : i32
    %dma_start3A_16 = arith.constant 0 : i32
    %dma_start3A_17 = tpu.memref_slice %arg10[%dma_start3A_15, %dma_start3A_16] : memref<3328x16xf32, #tpu.memory_space<vmem>> -> memref<128x16xf32, #tpu.memory_space<vmem>>
    %dma_start3A_18 = arith.constant 128 : i32
    %dma_start3A_19 = tpu.memref_slice %arg8[%dma_start3A_18] : memref<3328xi32, #tpu.memory_space<vmem>> -> memref<128xi32, #tpu.memory_space<vmem>>
    %dma_start3A_20 = arith.constant 0 : i32
    %dma_start3A_21 = arith.constant 0 : i32
    %dma_start3A_22 = tpu.memref_slice %arg4[%dma_start3A_20, %dma_start3A_21] : memref<1000012x16xf32, #tpu.memory_space<hbm>> -> memref<1000012x16xf32, #tpu.memory_space<hbm>>
    tpu.enqueue_indirect_dma source(%dma_start3A_22 : memref<1000012x16xf32, #tpu.memory_space<hbm>>) target(%dma_start3A_17 : memref<128x16xf32, #tpu.memory_space<vmem>>) offsets(%dma_start3A_19 : memref<128xi32, #tpu.memory_space<vmem>>) semaphore(%arg11 : memref<!tpu.dma_semaphore, #tpu.memory_space<semaphore_mem>>)
    %dma_start3A_23 = arith.constant 256 : i32
    %dma_start3A_24 = arith.constant 0 : i32
    %dma_start3A_25 = tpu.memref_slice %arg10[%dma_start3A_23, %dma_start3A_24] : memref<3328x16xf32, #tpu.memory_space<vmem>> -> memref<128x16xf32, #tpu.memory_space<vmem>>
    %dma_start3A_26 = arith.constant 256 : i32
    %dma_start3A_27 = tpu.memref_slice %arg8[%dma_start3A_26] : memref<3328xi32, #tpu.memory_space<vmem>> -> memref<128xi32, #tpu.memory_space<vmem>>
    %dma_start3A_28 = arith.constant 0 : i32
    %dma_start3A_29 = arith.constant 0 : i32
    %dma_start3A_30 = tpu.memref_slice %arg4[%dma_start3A_28, %dma_start3A_29] : memref<1000012x16xf32, #tpu.memory_space<hbm>> -> memref<1000012x16xf32, #tpu.memory_space<hbm>>
    tpu.enqueue_indirect_dma source(%dma_start3A_30 : memref<1000012x16xf32, #tpu.memory_space<hbm>>) target(%dma_start3A_25 : memref<128x16xf32, #tpu.memory_space<vmem>>) offsets(%dma_start3A_27 : memref<128xi32, #tpu.memory_space<vmem>>) semaphore(%arg11 : memref<!tpu.dma_semaphore, #tpu.memory_space<semaphore_mem>>)
    %dma_start3A_31 = arith.constant 384 : i32
    %dma_start3A_32 = arith.constant 0 : i32
    %dma_start3A_33 = tpu.memref_slice %arg10[%dma_start3A_31, %dma_start3A_32] : memref<3328x16xf32, #tpu.memory_space<vmem>> -> memref<128x16xf32, #tpu.memory_space<vmem>>
    %dma_start3A_34 = arith.constant 384 : i32
    %dma_start3A_35 = tpu.memref_slice %arg8[%dma_start3A_34] : memref<3328xi32, #tpu.memory_space<vmem>> -> memref<128xi32, #tpu.memory_space<vmem>>
    %dma_start3A_36 = arith.constant 0 : i32
    %dma_start3A_37 = arith.constant 0 : i32
    %dma_start3A_38 = tpu.memref_slice %arg4[%dma_start3A_36, %dma_start3A_37] : memref<1000012x16xf32, #tpu.memory_space<hbm>> -> memref<1000012x16xf32, #tpu.memory_space<hbm>>
    tpu.enqueue_indirect_dma source(%dma_start3A_38 : memref<1000012x16xf32, #tpu.memory_space<hbm>>) target(%dma_start3A_33 : memref<128x16xf32, #tpu.memory_space<vmem>>) offsets(%dma_start3A_35 : memref<128xi32, #tpu.memory_space<vmem>>) semaphore(%arg11 : memref<!tpu.dma_semaphore, #tpu.memory_space<semaphore_mem>>)
    %dma_start3A_39 = arith.constant 512 : i32
    %dma_start3A_40 = arith.constant 0 : i32
    %dma_start3A_41 = tpu.memref_slice %arg10[%dma_start3A_39, %dma_start3A_40] : memref<3328x16xf32, #tpu.memory_space<vmem>> -> memref<128x16xf32, #tpu.memory_space<vmem>>
    %dma_start3A_42 = arith.constant 512 : i32
    %dma_start3A_43 = tpu.memref_slice %arg8[%dma_start3A_42] : memref<3328xi32, #tpu.memory_space<vmem>> -> memref<128xi32, #tpu.memory_space<vmem>>
    %dma_start3A_44 = arith.constant 0 : i32
    %dma_start3A_45 = arith.constant 0 : i32
    %dma_start3A_46 = tpu.memref_slice %arg4[%dma_start3A_44, %dma_start3A_45] : memref<1000012x16xf32, #tpu.memory_space<hbm>> -> memref<1000012x16xf32, #tpu.memory_space<hbm>>
    tpu.enqueue_indirect_dma source(%dma_start3A_46 : memref<1000012x16xf32, #tpu.memory_space<hbm>>) target(%dma_start3A_41 : memref<128x16xf32, #tpu.memory_space<vmem>>) offsets(%dma_start3A_43 : memref<128xi32, #tpu.memory_space<vmem>>) semaphore(%arg11 : memref<!tpu.dma_semaphore, #tpu.memory_space<semaphore_mem>>)
    %dma_start3A_47 = arith.constant 640 : i32
    %dma_start3A_48 = arith.constant 0 : i32
    %dma_start3A_49 = tpu.memref_slice %arg10[%dma_start3A_47, %dma_start3A_48] : memref<3328x16xf32, #tpu.memory_space<vmem>> -> memref<128x16xf32, #tpu.memory_space<vmem>>
    %dma_start3A_50 = arith.constant 640 : i32
    %dma_start3A_51 = tpu.memref_slice %arg8[%dma_start3A_50] : memref<3328xi32, #tpu.memory_space<vmem>> -> memref<128xi32, #tpu.memory_space<vmem>>
    %dma_start3A_52 = arith.constant 0 : i32
    %dma_start3A_53 = arith.constant 0 : i32
    %dma_start3A_54 = tpu.memref_slice %arg4[%dma_start3A_52, %dma_start3A_53] : memref<1000012x16xf32, #tpu.memory_space<hbm>> -> memref<1000012x16xf32, #tpu.memory_space<hbm>>
    tpu.enqueue_indirect_dma source(%dma_start3A_54 : memref<1000012x16xf32, #tpu.memory_space<hbm>>) target(%dma_start3A_49 : memref<128x16xf32, #tpu.memory_space<vmem>>) offsets(%dma_start3A_51 : memref<128xi32, #tpu.memory_space<vmem>>) semaphore(%arg11 : memref<!tpu.dma_semaphore, #tpu.memory_space<semaphore_mem>>)
    %dma_start3A_55 = arith.constant 768 : i32
    %dma_start3A_56 = arith.constant 0 : i32
    %dma_start3A_57 = tpu.memref_slice %arg10[%dma_start3A_55, %dma_start3A_56] : memref<3328x16xf32, #tpu.memory_space<vmem>> -> memref<128x16xf32, #tpu.memory_space<vmem>>
    %dma_start3A_58 = arith.constant 768 : i32
    %dma_start3A_59 = tpu.memref_slice %arg8[%dma_start3A_58] : memref<3328xi32, #tpu.memory_space<vmem>> -> memref<128xi32, #tpu.memory_space<vmem>>
    %dma_start3A_60 = arith.constant 0 : i32
    %dma_start3A_61 = arith.constant 0 : i32
    %dma_start3A_62 = tpu.memref_slice %arg4[%dma_start3A_60, %dma_start3A_61] : memref<1000012x16xf32, #tpu.memory_space<hbm>> -> memref<1000012x16xf32, #tpu.memory_space<hbm>>
    tpu.enqueue_indirect_dma source(%dma_start3A_62 : memref<1000012x16xf32, #tpu.memory_space<hbm>>) target(%dma_start3A_57 : memref<128x16xf32, #tpu.memory_space<vmem>>) offsets(%dma_start3A_59 : memref<128xi32, #tpu.memory_space<vmem>>) semaphore(%arg11 : memref<!tpu.dma_semaphore, #tpu.memory_space<semaphore_mem>>)
    %dma_start3A_63 = arith.constant 896 : i32
    %dma_start3A_64 = arith.constant 0 : i32
    %dma_start3A_65 = tpu.memref_slice %arg10[%dma_start3A_63, %dma_start3A_64] : memref<3328x16xf32, #tpu.memory_space<vmem>> -> memref<128x16xf32, #tpu.memory_space<vmem>>
    %dma_start3A_66 = arith.constant 896 : i32
    %dma_start3A_67 = tpu.memref_slice %arg8[%dma_start3A_66] : memref<3328xi32, #tpu.memory_space<vmem>> -> memref<128xi32, #tpu.memory_space<vmem>>
    %dma_start3A_68 = arith.constant 0 : i32
    %dma_start3A_69 = arith.constant 0 : i32
    %dma_start3A_70 = tpu.memref_slice %arg4[%dma_start3A_68, %dma_start3A_69] : memref<1000012x16xf32, #tpu.memory_space<hbm>> -> memref<1000012x16xf32, #tpu.memory_space<hbm>>
    tpu.enqueue_indirect_dma source(%dma_start3A_70 : memref<1000012x16xf32, #tpu.memory_space<hbm>>) target(%dma_start3A_65 : memref<128x16xf32, #tpu.memory_space<vmem>>) offsets(%dma_start3A_67 : memref<128xi32, #tpu.memory_space<vmem>>) semaphore(%arg11 : memref<!tpu.dma_semaphore, #tpu.memory_space<semaphore_mem>>)
    %dma_start3A_71 = arith.constant 1024 : i32
    %dma_start3A_72 = arith.constant 0 : i32
    %dma_start3A_73 = tpu.memref_slice %arg10[%dma_start3A_71, %dma_start3A_72] : memref<3328x16xf32, #tpu.memory_space<vmem>> -> memref<128x16xf32, #tpu.memory_space<vmem>>
    %dma_start3A_74 = arith.constant 1024 : i32
    %dma_start3A_75 = tpu.memref_slice %arg8[%dma_start3A_74] : memref<3328xi32, #tpu.memory_space<vmem>> -> memref<128xi32, #tpu.memory_space<vmem>>
    %dma_start3A_76 = arith.constant 0 : i32
    %dma_start3A_77 = arith.constant 0 : i32
    %dma_start3A_78 = tpu.memref_slice %arg4[%dma_start3A_76, %dma_start3A_77] : memref<1000012x16xf32, #tpu.memory_space<hbm>> -> memref<1000012x16xf32, #tpu.memory_space<hbm>>
    tpu.enqueue_indirect_dma source(%dma_start3A_78 : memref<1000012x16xf32, #tpu.memory_space<hbm>>) target(%dma_start3A_73 : memref<128x16xf32, #tpu.memory_space<vmem>>) offsets(%dma_start3A_75 : memref<128xi32, #tpu.memory_space<vmem>>) semaphore(%arg11 : memref<!tpu.dma_semaphore, #tpu.memory_space<semaphore_mem>>)
    %dma_start3A_79 = arith.constant 1152 : i32
    %dma_start3A_80 = arith.constant 0 : i32
    %dma_start3A_81 = tpu.memref_slice %arg10[%dma_start3A_79, %dma_start3A_80] : memref<3328x16xf32, #tpu.memory_space<vmem>> -> memref<128x16xf32, #tpu.memory_space<vmem>>
    %dma_start3A_82 = arith.constant 1152 : i32
    %dma_start3A_83 = tpu.memref_slice %arg8[%dma_start3A_82] : memref<3328xi32, #tpu.memory_space<vmem>> -> memref<128xi32, #tpu.memory_space<vmem>>
    %dma_start3A_84 = arith.constant 0 : i32
    %dma_start3A_85 = arith.constant 0 : i32
    %dma_start3A_86 = tpu.memref_slice %arg4[%dma_start3A_84, %dma_start3A_85] : memref<1000012x16xf32, #tpu.memory_space<hbm>> -> memref<1000012x16xf32, #tpu.memory_space<hbm>>
    tpu.enqueue_indirect_dma source(%dma_start3A_86 : memref<1000012x16xf32, #tpu.memory_space<hbm>>) target(%dma_start3A_81 : memref<128x16xf32, #tpu.memory_space<vmem>>) offsets(%dma_start3A_83 : memref<128xi32, #tpu.memory_space<vmem>>) semaphore(%arg11 : memref<!tpu.dma_semaphore, #tpu.memory_space<semaphore_mem>>)
    %dma_start3A_87 = arith.constant 1280 : i32
    %dma_start3A_88 = arith.constant 0 : i32
    %dma_start3A_89 = tpu.memref_slice %arg10[%dma_start3A_87, %dma_start3A_88] : memref<3328x16xf32, #tpu.memory_space<vmem>> -> memref<128x16xf32, #tpu.memory_space<vmem>>
    %dma_start3A_90 = arith.constant 1280 : i32
    %dma_start3A_91 = tpu.memref_slice %arg8[%dma_start3A_90] : memref<3328xi32, #tpu.memory_space<vmem>> -> memref<128xi32, #tpu.memory_space<vmem>>
    %dma_start3A_92 = arith.constant 0 : i32
    %dma_start3A_93 = arith.constant 0 : i32
    %dma_start3A_94 = tpu.memref_slice %arg4[%dma_start3A_92, %dma_start3A_93] : memref<1000012x16xf32, #tpu.memory_space<hbm>> -> memref<1000012x16xf32, #tpu.memory_space<hbm>>
    tpu.enqueue_indirect_dma source(%dma_start3A_94 : memref<1000012x16xf32, #tpu.memory_space<hbm>>) target(%dma_start3A_89 : memref<128x16xf32, #tpu.memory_space<vmem>>) offsets(%dma_start3A_91 : memref<128xi32, #tpu.memory_space<vmem>>) semaphore(%arg11 : memref<!tpu.dma_semaphore, #tpu.memory_space<semaphore_mem>>)
    %dma_start3A_95 = arith.constant 1408 : i32
    %dma_start3A_96 = arith.constant 0 : i32
    %dma_start3A_97 = tpu.memref_slice %arg10[%dma_start3A_95, %dma_start3A_96] : memref<3328x16xf32, #tpu.memory_space<vmem>> -> memref<128x16xf32, #tpu.memory_space<vmem>>
    %dma_start3A_98 = arith.constant 1408 : i32
    %dma_start3A_99 = tpu.memref_slice %arg8[%dma_start3A_98] : memref<3328xi32, #tpu.memory_space<vmem>> -> memref<128xi32, #tpu.memory_space<vmem>>
    %dma_start3A_100 = arith.constant 0 : i32
    %dma_start3A_101 = arith.constant 0 : i32
    %dma_start3A_102 = tpu.memref_slice %arg4[%dma_start3A_100, %dma_start3A_101] : memref<1000012x16xf32, #tpu.memory_space<hbm>> -> memref<1000012x16xf32, #tpu.memory_space<hbm>>
    tpu.enqueue_indirect_dma source(%dma_start3A_102 : memref<1000012x16xf32, #tpu.memory_space<hbm>>) target(%dma_start3A_97 : memref<128x16xf32, #tpu.memory_space<vmem>>) offsets(%dma_start3A_99 : memref<128xi32, #tpu.memory_space<vmem>>) semaphore(%arg11 : memref<!tpu.dma_semaphore, #tpu.memory_space<semaphore_mem>>)
    %dma_start3A_103 = arith.constant 1536 : i32
    %dma_start3A_104 = arith.constant 0 : i32
    %dma_start3A_105 = tpu.memref_slice %arg10[%dma_start3A_103, %dma_start3A_104] : memref<3328x16xf32, #tpu.memory_space<vmem>> -> memref<128x16xf32, #tpu.memory_space<vmem>>
    %dma_start3A_106 = arith.constant 1536 : i32
    %dma_start3A_107 = tpu.memref_slice %arg8[%dma_start3A_106] : memref<3328xi32, #tpu.memory_space<vmem>> -> memref<128xi32, #tpu.memory_space<vmem>>
    %dma_start3A_108 = arith.constant 0 : i32
    %dma_start3A_109 = arith.constant 0 : i32
    %dma_start3A_110 = tpu.memref_slice %arg4[%dma_start3A_108, %dma_start3A_109] : memref<1000012x16xf32, #tpu.memory_space<hbm>> -> memref<1000012x16xf32, #tpu.memory_space<hbm>>
    tpu.enqueue_indirect_dma source(%dma_start3A_110 : memref<1000012x16xf32, #tpu.memory_space<hbm>>) target(%dma_start3A_105 : memref<128x16xf32, #tpu.memory_space<vmem>>) offsets(%dma_start3A_107 : memref<128xi32, #tpu.memory_space<vmem>>) semaphore(%arg11 : memref<!tpu.dma_semaphore, #tpu.memory_space<semaphore_mem>>)
    %dma_start3A_111 = arith.constant 1664 : i32
    %dma_start3A_112 = arith.constant 0 : i32
    %dma_start3A_113 = tpu.memref_slice %arg10[%dma_start3A_111, %dma_start3A_112] : memref<3328x16xf32, #tpu.memory_space<vmem>> -> memref<128x16xf32, #tpu.memory_space<vmem>>
    %dma_start3A_114 = arith.constant 1664 : i32
    %dma_start3A_115 = tpu.memref_slice %arg8[%dma_start3A_114] : memref<3328xi32, #tpu.memory_space<vmem>> -> memref<128xi32, #tpu.memory_space<vmem>>
    %dma_start3A_116 = arith.constant 0 : i32
    %dma_start3A_117 = arith.constant 0 : i32
    %dma_start3A_118 = tpu.memref_slice %arg4[%dma_start3A_116, %dma_start3A_117] : memref<1000012x16xf32, #tpu.memory_space<hbm>> -> memref<1000012x16xf32, #tpu.memory_space<hbm>>
    tpu.enqueue_indirect_dma source(%dma_start3A_118 : memref<1000012x16xf32, #tpu.memory_space<hbm>>) target(%dma_start3A_113 : memref<128x16xf32, #tpu.memory_space<vmem>>) offsets(%dma_start3A_115 : memref<128xi32, #tpu.memory_space<vmem>>) semaphore(%arg11 : memref<!tpu.dma_semaphore, #tpu.memory_space<semaphore_mem>>)
    %dma_start3A_119 = arith.constant 1792 : i32
    %dma_start3A_120 = arith.constant 0 : i32
    %dma_start3A_121 = tpu.memref_slice %arg10[%dma_start3A_119, %dma_start3A_120] : memref<3328x16xf32, #tpu.memory_space<vmem>> -> memref<128x16xf32, #tpu.memory_space<vmem>>
    %dma_start3A_122 = arith.constant 1792 : i32
    %dma_start3A_123 = tpu.memref_slice %arg8[%dma_start3A_122] : memref<3328xi32, #tpu.memory_space<vmem>> -> memref<128xi32, #tpu.memory_space<vmem>>
    %dma_start3A_124 = arith.constant 0 : i32
    %dma_start3A_125 = arith.constant 0 : i32
    %dma_start3A_126 = tpu.memref_slice %arg4[%dma_start3A_124, %dma_start3A_125] : memref<1000012x16xf32, #tpu.memory_space<hbm>> -> memref<1000012x16xf32, #tpu.memory_space<hbm>>
    tpu.enqueue_indirect_dma source(%dma_start3A_126 : memref<1000012x16xf32, #tpu.memory_space<hbm>>) target(%dma_start3A_121 : memref<128x16xf32, #tpu.memory_space<vmem>>) offsets(%dma_start3A_123 : memref<128xi32, #tpu.memory_space<vmem>>) semaphore(%arg11 : memref<!tpu.dma_semaphore, #tpu.memory_space<semaphore_mem>>)
    %dma_start3A_127 = arith.constant 1920 : i32
    %dma_start3A_128 = arith.constant 0 : i32
    %dma_start3A_129 = tpu.memref_slice %arg10[%dma_start3A_127, %dma_start3A_128] : memref<3328x16xf32, #tpu.memory_space<vmem>> -> memref<128x16xf32, #tpu.memory_space<vmem>>
    %dma_start3A_130 = arith.constant 1920 : i32
    %dma_start3A_131 = tpu.memref_slice %arg8[%dma_start3A_130] : memref<3328xi32, #tpu.memory_space<vmem>> -> memref<128xi32, #tpu.memory_space<vmem>>
    %dma_start3A_132 = arith.constant 0 : i32
    %dma_start3A_133 = arith.constant 0 : i32
    %dma_start3A_134 = tpu.memref_slice %arg4[%dma_start3A_132, %dma_start3A_133] : memref<1000012x16xf32, #tpu.memory_space<hbm>> -> memref<1000012x16xf32, #tpu.memory_space<hbm>>
    tpu.enqueue_indirect_dma source(%dma_start3A_134 : memref<1000012x16xf32, #tpu.memory_space<hbm>>) target(%dma_start3A_129 : memref<128x16xf32, #tpu.memory_space<vmem>>) offsets(%dma_start3A_131 : memref<128xi32, #tpu.memory_space<vmem>>) semaphore(%arg11 : memref<!tpu.dma_semaphore, #tpu.memory_space<semaphore_mem>>)
    %dma_start3A_135 = arith.constant 2048 : i32
    %dma_start3A_136 = arith.constant 0 : i32
    %dma_start3A_137 = tpu.memref_slice %arg10[%dma_start3A_135, %dma_start3A_136] : memref<3328x16xf32, #tpu.memory_space<vmem>> -> memref<128x16xf32, #tpu.memory_space<vmem>>
    %dma_start3A_138 = arith.constant 2048 : i32
    %dma_start3A_139 = tpu.memref_slice %arg8[%dma_start3A_138] : memref<3328xi32, #tpu.memory_space<vmem>> -> memref<128xi32, #tpu.memory_space<vmem>>
    %dma_start3A_140 = arith.constant 0 : i32
    %dma_start3A_141 = arith.constant 0 : i32
    %dma_start3A_142 = tpu.memref_slice %arg4[%dma_start3A_140, %dma_start3A_141] : memref<1000012x16xf32, #tpu.memory_space<hbm>> -> memref<1000012x16xf32, #tpu.memory_space<hbm>>
    tpu.enqueue_indirect_dma source(%dma_start3A_142 : memref<1000012x16xf32, #tpu.memory_space<hbm>>) target(%dma_start3A_137 : memref<128x16xf32, #tpu.memory_space<vmem>>) offsets(%dma_start3A_139 : memref<128xi32, #tpu.memory_space<vmem>>) semaphore(%arg11 : memref<!tpu.dma_semaphore, #tpu.memory_space<semaphore_mem>>)
    %dma_start3A_143 = arith.constant 2176 : i32
    %dma_start3A_144 = arith.constant 0 : i32
    %dma_start3A_145 = tpu.memref_slice %arg10[%dma_start3A_143, %dma_start3A_144] : memref<3328x16xf32, #tpu.memory_space<vmem>> -> memref<128x16xf32, #tpu.memory_space<vmem>>
    %dma_start3A_146 = arith.constant 2176 : i32
    %dma_start3A_147 = tpu.memref_slice %arg8[%dma_start3A_146] : memref<3328xi32, #tpu.memory_space<vmem>> -> memref<128xi32, #tpu.memory_space<vmem>>
    %dma_start3A_148 = arith.constant 0 : i32
    %dma_start3A_149 = arith.constant 0 : i32
    %dma_start3A_150 = tpu.memref_slice %arg4[%dma_start3A_148, %dma_start3A_149] : memref<1000012x16xf32, #tpu.memory_space<hbm>> -> memref<1000012x16xf32, #tpu.memory_space<hbm>>
    tpu.enqueue_indirect_dma source(%dma_start3A_150 : memref<1000012x16xf32, #tpu.memory_space<hbm>>) target(%dma_start3A_145 : memref<128x16xf32, #tpu.memory_space<vmem>>) offsets(%dma_start3A_147 : memref<128xi32, #tpu.memory_space<vmem>>) semaphore(%arg11 : memref<!tpu.dma_semaphore, #tpu.memory_space<semaphore_mem>>)
    %dma_start3A_151 = arith.constant 2304 : i32
    %dma_start3A_152 = arith.constant 0 : i32
    %dma_start3A_153 = tpu.memref_slice %arg10[%dma_start3A_151, %dma_start3A_152] : memref<3328x16xf32, #tpu.memory_space<vmem>> -> memref<128x16xf32, #tpu.memory_space<vmem>>
    %dma_start3A_154 = arith.constant 2304 : i32
    %dma_start3A_155 = tpu.memref_slice %arg8[%dma_start3A_154] : memref<3328xi32, #tpu.memory_space<vmem>> -> memref<128xi32, #tpu.memory_space<vmem>>
    %dma_start3A_156 = arith.constant 0 : i32
    %dma_start3A_157 = arith.constant 0 : i32
    %dma_start3A_158 = tpu.memref_slice %arg4[%dma_start3A_156, %dma_start3A_157] : memref<1000012x16xf32, #tpu.memory_space<hbm>> -> memref<1000012x16xf32, #tpu.memory_space<hbm>>
    tpu.enqueue_indirect_dma source(%dma_start3A_158 : memref<1000012x16xf32, #tpu.memory_space<hbm>>) target(%dma_start3A_153 : memref<128x16xf32, #tpu.memory_space<vmem>>) offsets(%dma_start3A_155 : memref<128xi32, #tpu.memory_space<vmem>>) semaphore(%arg11 : memref<!tpu.dma_semaphore, #tpu.memory_space<semaphore_mem>>)
    %dma_start3A_159 = arith.constant 2432 : i32
    %dma_start3A_160 = arith.constant 0 : i32
    %dma_start3A_161 = tpu.memref_slice %arg10[%dma_start3A_159, %dma_start3A_160] : memref<3328x16xf32, #tpu.memory_space<vmem>> -> memref<128x16xf32, #tpu.memory_space<vmem>>
    %dma_start3A_162 = arith.constant 2432 : i32
    %dma_start3A_163 = tpu.memref_slice %arg8[%dma_start3A_162] : memref<3328xi32, #tpu.memory_space<vmem>> -> memref<128xi32, #tpu.memory_space<vmem>>
    %dma_start3A_164 = arith.constant 0 : i32
    %dma_start3A_165 = arith.constant 0 : i32
    %dma_start3A_166 = tpu.memref_slice %arg4[%dma_start3A_164, %dma_start3A_165] : memref<1000012x16xf32, #tpu.memory_space<hbm>> -> memref<1000012x16xf32, #tpu.memory_space<hbm>>
    tpu.enqueue_indirect_dma source(%dma_start3A_166 : memref<1000012x16xf32, #tpu.memory_space<hbm>>) target(%dma_start3A_161 : memref<128x16xf32, #tpu.memory_space<vmem>>) offsets(%dma_start3A_163 : memref<128xi32, #tpu.memory_space<vmem>>) semaphore(%arg11 : memref<!tpu.dma_semaphore, #tpu.memory_space<semaphore_mem>>)
    %dma_start3A_167 = arith.constant 2560 : i32
    %dma_start3A_168 = arith.constant 0 : i32
    %dma_start3A_169 = tpu.memref_slice %arg10[%dma_start3A_167, %dma_start3A_168] : memref<3328x16xf32, #tpu.memory_space<vmem>> -> memref<128x16xf32, #tpu.memory_space<vmem>>
    %dma_start3A_170 = arith.constant 2560 : i32
    %dma_start3A_171 = tpu.memref_slice %arg8[%dma_start3A_170] : memref<3328xi32, #tpu.memory_space<vmem>> -> memref<128xi32, #tpu.memory_space<vmem>>
    %dma_start3A_172 = arith.constant 0 : i32
    %dma_start3A_173 = arith.constant 0 : i32
    %dma_start3A_174 = tpu.memref_slice %arg4[%dma_start3A_172, %dma_start3A_173] : memref<1000012x16xf32, #tpu.memory_space<hbm>> -> memref<1000012x16xf32, #tpu.memory_space<hbm>>
    tpu.enqueue_indirect_dma source(%dma_start3A_174 : memref<1000012x16xf32, #tpu.memory_space<hbm>>) target(%dma_start3A_169 : memref<128x16xf32, #tpu.memory_space<vmem>>) offsets(%dma_start3A_171 : memref<128xi32, #tpu.memory_space<vmem>>) semaphore(%arg11 : memref<!tpu.dma_semaphore, #tpu.memory_space<semaphore_mem>>)
    %dma_start3A_175 = arith.constant 2688 : i32
    %dma_start3A_176 = arith.constant 0 : i32
    %dma_start3A_177 = tpu.memref_slice %arg10[%dma_start3A_175, %dma_start3A_176] : memref<3328x16xf32, #tpu.memory_space<vmem>> -> memref<128x16xf32, #tpu.memory_space<vmem>>
    %dma_start3A_178 = arith.constant 2688 : i32
    %dma_start3A_179 = tpu.memref_slice %arg8[%dma_start3A_178] : memref<3328xi32, #tpu.memory_space<vmem>> -> memref<128xi32, #tpu.memory_space<vmem>>
    %dma_start3A_180 = arith.constant 0 : i32
    %dma_start3A_181 = arith.constant 0 : i32
    %dma_start3A_182 = tpu.memref_slice %arg4[%dma_start3A_180, %dma_start3A_181] : memref<1000012x16xf32, #tpu.memory_space<hbm>> -> memref<1000012x16xf32, #tpu.memory_space<hbm>>
    tpu.enqueue_indirect_dma source(%dma_start3A_182 : memref<1000012x16xf32, #tpu.memory_space<hbm>>) target(%dma_start3A_177 : memref<128x16xf32, #tpu.memory_space<vmem>>) offsets(%dma_start3A_179 : memref<128xi32, #tpu.memory_space<vmem>>) semaphore(%arg11 : memref<!tpu.dma_semaphore, #tpu.memory_space<semaphore_mem>>)
    %dma_start3A_183 = arith.constant 2816 : i32
    %dma_start3A_184 = arith.constant 0 : i32
    %dma_start3A_185 = tpu.memref_slice %arg10[%dma_start3A_183, %dma_start3A_184] : memref<3328x16xf32, #tpu.memory_space<vmem>> -> memref<128x16xf32, #tpu.memory_space<vmem>>
    %dma_start3A_186 = arith.constant 2816 : i32
    %dma_start3A_187 = tpu.memref_slice %arg8[%dma_start3A_186] : memref<3328xi32, #tpu.memory_space<vmem>> -> memref<128xi32, #tpu.memory_space<vmem>>
    %dma_start3A_188 = arith.constant 0 : i32
    %dma_start3A_189 = arith.constant 0 : i32
    %dma_start3A_190 = tpu.memref_slice %arg4[%dma_start3A_188, %dma_start3A_189] : memref<1000012x16xf32, #tpu.memory_space<hbm>> -> memref<1000012x16xf32, #tpu.memory_space<hbm>>
    tpu.enqueue_indirect_dma source(%dma_start3A_190 : memref<1000012x16xf32, #tpu.memory_space<hbm>>) target(%dma_start3A_185 : memref<128x16xf32, #tpu.memory_space<vmem>>) offsets(%dma_start3A_187 : memref<128xi32, #tpu.memory_space<vmem>>) semaphore(%arg11 : memref<!tpu.dma_semaphore, #tpu.memory_space<semaphore_mem>>)
    %dma_start3A_191 = arith.constant 2944 : i32
    %dma_start3A_192 = arith.constant 0 : i32
    %dma_start3A_193 = tpu.memref_slice %arg10[%dma_start3A_191, %dma_start3A_192] : memref<3328x16xf32, #tpu.memory_space<vmem>> -> memref<128x16xf32, #tpu.memory_space<vmem>>
    %dma_start3A_194 = arith.constant 2944 : i32
    %dma_start3A_195 = tpu.memref_slice %arg8[%dma_start3A_194] : memref<3328xi32, #tpu.memory_space<vmem>> -> memref<128xi32, #tpu.memory_space<vmem>>
    %dma_start3A_196 = arith.constant 0 : i32
    %dma_start3A_197 = arith.constant 0 : i32
    %dma_start3A_198 = tpu.memref_slice %arg4[%dma_start3A_196, %dma_start3A_197] : memref<1000012x16xf32, #tpu.memory_space<hbm>> -> memref<1000012x16xf32, #tpu.memory_space<hbm>>
    tpu.enqueue_indirect_dma source(%dma_start3A_198 : memref<1000012x16xf32, #tpu.memory_space<hbm>>) target(%dma_start3A_193 : memref<128x16xf32, #tpu.memory_space<vmem>>) offsets(%dma_start3A_195 : memref<128xi32, #tpu.memory_space<vmem>>) semaphore(%arg11 : memref<!tpu.dma_semaphore, #tpu.memory_space<semaphore_mem>>)
    %dma_start3A_199 = arith.constant 3072 : i32
    %dma_start3A_200 = arith.constant 0 : i32
    %dma_start3A_201 = tpu.memref_slice %arg10[%dma_start3A_199, %dma_start3A_200] : memref<3328x16xf32, #tpu.memory_space<vmem>> -> memref<128x16xf32, #tpu.memory_space<vmem>>
    %dma_start3A_202 = arith.constant 3072 : i32
    %dma_start3A_203 = tpu.memref_slice %arg8[%dma_start3A_202] : memref<3328xi32, #tpu.memory_space<vmem>> -> memref<128xi32, #tpu.memory_space<vmem>>
    %dma_start3A_204 = arith.constant 0 : i32
    %dma_start3A_205 = arith.constant 0 : i32
    %dma_start3A_206 = tpu.memref_slice %arg4[%dma_start3A_204, %dma_start3A_205] : memref<1000012x16xf32, #tpu.memory_space<hbm>> -> memref<1000012x16xf32, #tpu.memory_space<hbm>>
    tpu.enqueue_indirect_dma source(%dma_start3A_206 : memref<1000012x16xf32, #tpu.memory_space<hbm>>) target(%dma_start3A_201 : memref<128x16xf32, #tpu.memory_space<vmem>>) offsets(%dma_start3A_203 : memref<128xi32, #tpu.memory_space<vmem>>) semaphore(%arg11 : memref<!tpu.dma_semaphore, #tpu.memory_space<semaphore_mem>>)
    %dma_start3A_207 = arith.constant 3200 : i32
    %dma_start3A_208 = arith.constant 0 : i32
    %dma_start3A_209 = tpu.memref_slice %arg10[%dma_start3A_207, %dma_start3A_208] : memref<3328x16xf32, #tpu.memory_space<vmem>> -> memref<128x16xf32, #tpu.memory_space<vmem>>
    %dma_start3A_210 = arith.constant 3200 : i32
    %dma_start3A_211 = tpu.memref_slice %arg8[%dma_start3A_210] : memref<3328xi32, #tpu.memory_space<vmem>> -> memref<128xi32, #tpu.memory_space<vmem>>
    %dma_start3A_212 = arith.constant 0 : i32
    %dma_start3A_213 = arith.constant 0 : i32
    %dma_start3A_214 = tpu.memref_slice %arg4[%dma_start3A_212, %dma_start3A_213] : memref<1000012x16xf32, #tpu.memory_space<hbm>> -> memref<1000012x16xf32, #tpu.memory_space<hbm>>
    tpu.enqueue_indirect_dma source(%dma_start3A_214 : memref<1000012x16xf32, #tpu.memory_space<hbm>>) target(%dma_start3A_209 : memref<128x16xf32, #tpu.memory_space<vmem>>) offsets(%dma_start3A_211 : memref<128xi32, #tpu.memory_space<vmem>>) semaphore(%arg11 : memref<!tpu.dma_semaphore, #tpu.memory_space<semaphore_mem>>)
    %dma_wait3A = arith.constant 0 : i32
    %dma_wait3A_215 = arith.constant 0 : i32
    %dma_wait3A_216 = tpu.memref_slice %arg10[%dma_wait3A, %dma_wait3A_215] : memref<3328x16xf32, #tpu.memory_space<vmem>> -> memref<128x16xf32, #tpu.memory_space<vmem>>
    %dma_wait3A_217 = arith.constant 0 : i32
    %dma_wait3A_218 = tpu.memref_slice %arg8[%dma_wait3A_217] : memref<3328xi32, #tpu.memory_space<vmem>> -> memref<128xi32, #tpu.memory_space<vmem>>
    %dma_wait3A_219 = arith.constant 0 : i32
    %dma_wait3A_220 = arith.constant 0 : i32
    %dma_wait3A_221 = tpu.memref_slice %arg4[%dma_wait3A_219, %dma_wait3A_220] : memref<1000012x16xf32, #tpu.memory_space<hbm>> -> memref<1000012x16xf32, #tpu.memory_space<hbm>>
    tpu.wait_indirect_dma semaphore(%arg11 : memref<!tpu.dma_semaphore, #tpu.memory_space<semaphore_mem>>) src(%dma_wait3A_221 : memref<1000012x16xf32, #tpu.memory_space<hbm>>) dst(%dma_wait3A_216 : memref<128x16xf32, #tpu.memory_space<vmem>>)
    %dma_wait3A_222 = arith.constant 128 : i32
    %dma_wait3A_223 = arith.constant 0 : i32
    %dma_wait3A_224 = tpu.memref_slice %arg10[%dma_wait3A_222, %dma_wait3A_223] : memref<3328x16xf32, #tpu.memory_space<vmem>> -> memref<128x16xf32, #tpu.memory_space<vmem>>
    %dma_wait3A_225 = arith.constant 128 : i32
    %dma_wait3A_226 = tpu.memref_slice %arg8[%dma_wait3A_225] : memref<3328xi32, #tpu.memory_space<vmem>> -> memref<128xi32, #tpu.memory_space<vmem>>
    %dma_wait3A_227 = arith.constant 0 : i32
    %dma_wait3A_228 = arith.constant 0 : i32
    %dma_wait3A_229 = tpu.memref_slice %arg4[%dma_wait3A_227, %dma_wait3A_228] : memref<1000012x16xf32, #tpu.memory_space<hbm>> -> memref<1000012x16xf32, #tpu.memory_space<hbm>>
    tpu.wait_indirect_dma semaphore(%arg11 : memref<!tpu.dma_semaphore, #tpu.memory_space<semaphore_mem>>) src(%dma_wait3A_229 : memref<1000012x16xf32, #tpu.memory_space<hbm>>) dst(%dma_wait3A_224 : memref<128x16xf32, #tpu.memory_space<vmem>>)
    %dma_wait3A_230 = arith.constant 256 : i32
    %dma_wait3A_231 = arith.constant 0 : i32
    %dma_wait3A_232 = tpu.memref_slice %arg10[%dma_wait3A_230, %dma_wait3A_231] : memref<3328x16xf32, #tpu.memory_space<vmem>> -> memref<128x16xf32, #tpu.memory_space<vmem>>
    %dma_wait3A_233 = arith.constant 256 : i32
    %dma_wait3A_234 = tpu.memref_slice %arg8[%dma_wait3A_233] : memref<3328xi32, #tpu.memory_space<vmem>> -> memref<128xi32, #tpu.memory_space<vmem>>
    %dma_wait3A_235 = arith.constant 0 : i32
    %dma_wait3A_236 = arith.constant 0 : i32
    %dma_wait3A_237 = tpu.memref_slice %arg4[%dma_wait3A_235, %dma_wait3A_236] : memref<1000012x16xf32, #tpu.memory_space<hbm>> -> memref<1000012x16xf32, #tpu.memory_space<hbm>>
    tpu.wait_indirect_dma semaphore(%arg11 : memref<!tpu.dma_semaphore, #tpu.memory_space<semaphore_mem>>) src(%dma_wait3A_237 : memref<1000012x16xf32, #tpu.memory_space<hbm>>) dst(%dma_wait3A_232 : memref<128x16xf32, #tpu.memory_space<vmem>>)
    %dma_wait3A_238 = arith.constant 384 : i32
    %dma_wait3A_239 = arith.constant 0 : i32
    %dma_wait3A_240 = tpu.memref_slice %arg10[%dma_wait3A_238, %dma_wait3A_239] : memref<3328x16xf32, #tpu.memory_space<vmem>> -> memref<128x16xf32, #tpu.memory_space<vmem>>
    %dma_wait3A_241 = arith.constant 384 : i32
    %dma_wait3A_242 = tpu.memref_slice %arg8[%dma_wait3A_241] : memref<3328xi32, #tpu.memory_space<vmem>> -> memref<128xi32, #tpu.memory_space<vmem>>
    %dma_wait3A_243 = arith.constant 0 : i32
    %dma_wait3A_244 = arith.constant 0 : i32
    %dma_wait3A_245 = tpu.memref_slice %arg4[%dma_wait3A_243, %dma_wait3A_244] : memref<1000012x16xf32, #tpu.memory_space<hbm>> -> memref<1000012x16xf32, #tpu.memory_space<hbm>>
    tpu.wait_indirect_dma semaphore(%arg11 : memref<!tpu.dma_semaphore, #tpu.memory_space<semaphore_mem>>) src(%dma_wait3A_245 : memref<1000012x16xf32, #tpu.memory_space<hbm>>) dst(%dma_wait3A_240 : memref<128x16xf32, #tpu.memory_space<vmem>>)
    %dma_wait3A_246 = arith.constant 512 : i32
    %dma_wait3A_247 = arith.constant 0 : i32
    %dma_wait3A_248 = tpu.memref_slice %arg10[%dma_wait3A_246, %dma_wait3A_247] : memref<3328x16xf32, #tpu.memory_space<vmem>> -> memref<128x16xf32, #tpu.memory_space<vmem>>
    %dma_wait3A_249 = arith.constant 512 : i32
    %dma_wait3A_250 = tpu.memref_slice %arg8[%dma_wait3A_249] : memref<3328xi32, #tpu.memory_space<vmem>> -> memref<128xi32, #tpu.memory_space<vmem>>
    %dma_wait3A_251 = arith.constant 0 : i32
    %dma_wait3A_252 = arith.constant 0 : i32
    %dma_wait3A_253 = tpu.memref_slice %arg4[%dma_wait3A_251, %dma_wait3A_252] : memref<1000012x16xf32, #tpu.memory_space<hbm>> -> memref<1000012x16xf32, #tpu.memory_space<hbm>>
    tpu.wait_indirect_dma semaphore(%arg11 : memref<!tpu.dma_semaphore, #tpu.memory_space<semaphore_mem>>) src(%dma_wait3A_253 : memref<1000012x16xf32, #tpu.memory_space<hbm>>) dst(%dma_wait3A_248 : memref<128x16xf32, #tpu.memory_space<vmem>>)
    %dma_wait3A_254 = arith.constant 640 : i32
    %dma_wait3A_255 = arith.constant 0 : i32
    %dma_wait3A_256 = tpu.memref_slice %arg10[%dma_wait3A_254, %dma_wait3A_255] : memref<3328x16xf32, #tpu.memory_space<vmem>> -> memref<128x16xf32, #tpu.memory_space<vmem>>
    %dma_wait3A_257 = arith.constant 640 : i32
    %dma_wait3A_258 = tpu.memref_slice %arg8[%dma_wait3A_257] : memref<3328xi32, #tpu.memory_space<vmem>> -> memref<128xi32, #tpu.memory_space<vmem>>
    %dma_wait3A_259 = arith.constant 0 : i32
    %dma_wait3A_260 = arith.constant 0 : i32
    %dma_wait3A_261 = tpu.memref_slice %arg4[%dma_wait3A_259, %dma_wait3A_260] : memref<1000012x16xf32, #tpu.memory_space<hbm>> -> memref<1000012x16xf32, #tpu.memory_space<hbm>>
    tpu.wait_indirect_dma semaphore(%arg11 : memref<!tpu.dma_semaphore, #tpu.memory_space<semaphore_mem>>) src(%dma_wait3A_261 : memref<1000012x16xf32, #tpu.memory_space<hbm>>) dst(%dma_wait3A_256 : memref<128x16xf32, #tpu.memory_space<vmem>>)
    %dma_wait3A_262 = arith.constant 768 : i32
    %dma_wait3A_263 = arith.constant 0 : i32
    %dma_wait3A_264 = tpu.memref_slice %arg10[%dma_wait3A_262, %dma_wait3A_263] : memref<3328x16xf32, #tpu.memory_space<vmem>> -> memref<128x16xf32, #tpu.memory_space<vmem>>
    %dma_wait3A_265 = arith.constant 768 : i32
    %dma_wait3A_266 = tpu.memref_slice %arg8[%dma_wait3A_265] : memref<3328xi32, #tpu.memory_space<vmem>> -> memref<128xi32, #tpu.memory_space<vmem>>
    %dma_wait3A_267 = arith.constant 0 : i32
    %dma_wait3A_268 = arith.constant 0 : i32
    %dma_wait3A_269 = tpu.memref_slice %arg4[%dma_wait3A_267, %dma_wait3A_268] : memref<1000012x16xf32, #tpu.memory_space<hbm>> -> memref<1000012x16xf32, #tpu.memory_space<hbm>>
    tpu.wait_indirect_dma semaphore(%arg11 : memref<!tpu.dma_semaphore, #tpu.memory_space<semaphore_mem>>) src(%dma_wait3A_269 : memref<1000012x16xf32, #tpu.memory_space<hbm>>) dst(%dma_wait3A_264 : memref<128x16xf32, #tpu.memory_space<vmem>>)
    %dma_wait3A_270 = arith.constant 896 : i32
    %dma_wait3A_271 = arith.constant 0 : i32
    %dma_wait3A_272 = tpu.memref_slice %arg10[%dma_wait3A_270, %dma_wait3A_271] : memref<3328x16xf32, #tpu.memory_space<vmem>> -> memref<128x16xf32, #tpu.memory_space<vmem>>
    %dma_wait3A_273 = arith.constant 896 : i32
    %dma_wait3A_274 = tpu.memref_slice %arg8[%dma_wait3A_273] : memref<3328xi32, #tpu.memory_space<vmem>> -> memref<128xi32, #tpu.memory_space<vmem>>
    %dma_wait3A_275 = arith.constant 0 : i32
    %dma_wait3A_276 = arith.constant 0 : i32
    %dma_wait3A_277 = tpu.memref_slice %arg4[%dma_wait3A_275, %dma_wait3A_276] : memref<1000012x16xf32, #tpu.memory_space<hbm>> -> memref<1000012x16xf32, #tpu.memory_space<hbm>>
    tpu.wait_indirect_dma semaphore(%arg11 : memref<!tpu.dma_semaphore, #tpu.memory_space<semaphore_mem>>) src(%dma_wait3A_277 : memref<1000012x16xf32, #tpu.memory_space<hbm>>) dst(%dma_wait3A_272 : memref<128x16xf32, #tpu.memory_space<vmem>>)
    %dma_wait3A_278 = arith.constant 1024 : i32
    %dma_wait3A_279 = arith.constant 0 : i32
    %dma_wait3A_280 = tpu.memref_slice %arg10[%dma_wait3A_278, %dma_wait3A_279] : memref<3328x16xf32, #tpu.memory_space<vmem>> -> memref<128x16xf32, #tpu.memory_space<vmem>>
    %dma_wait3A_281 = arith.constant 1024 : i32
    %dma_wait3A_282 = tpu.memref_slice %arg8[%dma_wait3A_281] : memref<3328xi32, #tpu.memory_space<vmem>> -> memref<128xi32, #tpu.memory_space<vmem>>
    %dma_wait3A_283 = arith.constant 0 : i32
    %dma_wait3A_284 = arith.constant 0 : i32
    %dma_wait3A_285 = tpu.memref_slice %arg4[%dma_wait3A_283, %dma_wait3A_284] : memref<1000012x16xf32, #tpu.memory_space<hbm>> -> memref<1000012x16xf32, #tpu.memory_space<hbm>>
    tpu.wait_indirect_dma semaphore(%arg11 : memref<!tpu.dma_semaphore, #tpu.memory_space<semaphore_mem>>) src(%dma_wait3A_285 : memref<1000012x16xf32, #tpu.memory_space<hbm>>) dst(%dma_wait3A_280 : memref<128x16xf32, #tpu.memory_space<vmem>>)
    %dma_wait3A_286 = arith.constant 1152 : i32
    %dma_wait3A_287 = arith.constant 0 : i32
    %dma_wait3A_288 = tpu.memref_slice %arg10[%dma_wait3A_286, %dma_wait3A_287] : memref<3328x16xf32, #tpu.memory_space<vmem>> -> memref<128x16xf32, #tpu.memory_space<vmem>>
    %dma_wait3A_289 = arith.constant 1152 : i32
    %dma_wait3A_290 = tpu.memref_slice %arg8[%dma_wait3A_289] : memref<3328xi32, #tpu.memory_space<vmem>> -> memref<128xi32, #tpu.memory_space<vmem>>
    %dma_wait3A_291 = arith.constant 0 : i32
    %dma_wait3A_292 = arith.constant 0 : i32
    %dma_wait3A_293 = tpu.memref_slice %arg4[%dma_wait3A_291, %dma_wait3A_292] : memref<1000012x16xf32, #tpu.memory_space<hbm>> -> memref<1000012x16xf32, #tpu.memory_space<hbm>>
    tpu.wait_indirect_dma semaphore(%arg11 : memref<!tpu.dma_semaphore, #tpu.memory_space<semaphore_mem>>) src(%dma_wait3A_293 : memref<1000012x16xf32, #tpu.memory_space<hbm>>) dst(%dma_wait3A_288 : memref<128x16xf32, #tpu.memory_space<vmem>>)
    %dma_wait3A_294 = arith.constant 1280 : i32
    %dma_wait3A_295 = arith.constant 0 : i32
    %dma_wait3A_296 = tpu.memref_slice %arg10[%dma_wait3A_294, %dma_wait3A_295] : memref<3328x16xf32, #tpu.memory_space<vmem>> -> memref<128x16xf32, #tpu.memory_space<vmem>>
    %dma_wait3A_297 = arith.constant 1280 : i32
    %dma_wait3A_298 = tpu.memref_slice %arg8[%dma_wait3A_297] : memref<3328xi32, #tpu.memory_space<vmem>> -> memref<128xi32, #tpu.memory_space<vmem>>
    %dma_wait3A_299 = arith.constant 0 : i32
    %dma_wait3A_300 = arith.constant 0 : i32
    %dma_wait3A_301 = tpu.memref_slice %arg4[%dma_wait3A_299, %dma_wait3A_300] : memref<1000012x16xf32, #tpu.memory_space<hbm>> -> memref<1000012x16xf32, #tpu.memory_space<hbm>>
    tpu.wait_indirect_dma semaphore(%arg11 : memref<!tpu.dma_semaphore, #tpu.memory_space<semaphore_mem>>) src(%dma_wait3A_301 : memref<1000012x16xf32, #tpu.memory_space<hbm>>) dst(%dma_wait3A_296 : memref<128x16xf32, #tpu.memory_space<vmem>>)
    %dma_wait3A_302 = arith.constant 1408 : i32
    %dma_wait3A_303 = arith.constant 0 : i32
    %dma_wait3A_304 = tpu.memref_slice %arg10[%dma_wait3A_302, %dma_wait3A_303] : memref<3328x16xf32, #tpu.memory_space<vmem>> -> memref<128x16xf32, #tpu.memory_space<vmem>>
    %dma_wait3A_305 = arith.constant 1408 : i32
    %dma_wait3A_306 = tpu.memref_slice %arg8[%dma_wait3A_305] : memref<3328xi32, #tpu.memory_space<vmem>> -> memref<128xi32, #tpu.memory_space<vmem>>
    %dma_wait3A_307 = arith.constant 0 : i32
    %dma_wait3A_308 = arith.constant 0 : i32
    %dma_wait3A_309 = tpu.memref_slice %arg4[%dma_wait3A_307, %dma_wait3A_308] : memref<1000012x16xf32, #tpu.memory_space<hbm>> -> memref<1000012x16xf32, #tpu.memory_space<hbm>>
    tpu.wait_indirect_dma semaphore(%arg11 : memref<!tpu.dma_semaphore, #tpu.memory_space<semaphore_mem>>) src(%dma_wait3A_309 : memref<1000012x16xf32, #tpu.memory_space<hbm>>) dst(%dma_wait3A_304 : memref<128x16xf32, #tpu.memory_space<vmem>>)
    %dma_wait3A_310 = arith.constant 1536 : i32
    %dma_wait3A_311 = arith.constant 0 : i32
    %dma_wait3A_312 = tpu.memref_slice %arg10[%dma_wait3A_310, %dma_wait3A_311] : memref<3328x16xf32, #tpu.memory_space<vmem>> -> memref<128x16xf32, #tpu.memory_space<vmem>>
    %dma_wait3A_313 = arith.constant 1536 : i32
    %dma_wait3A_314 = tpu.memref_slice %arg8[%dma_wait3A_313] : memref<3328xi32, #tpu.memory_space<vmem>> -> memref<128xi32, #tpu.memory_space<vmem>>
    %dma_wait3A_315 = arith.constant 0 : i32
    %dma_wait3A_316 = arith.constant 0 : i32
    %dma_wait3A_317 = tpu.memref_slice %arg4[%dma_wait3A_315, %dma_wait3A_316] : memref<1000012x16xf32, #tpu.memory_space<hbm>> -> memref<1000012x16xf32, #tpu.memory_space<hbm>>
    tpu.wait_indirect_dma semaphore(%arg11 : memref<!tpu.dma_semaphore, #tpu.memory_space<semaphore_mem>>) src(%dma_wait3A_317 : memref<1000012x16xf32, #tpu.memory_space<hbm>>) dst(%dma_wait3A_312 : memref<128x16xf32, #tpu.memory_space<vmem>>)
    %dma_wait3A_318 = arith.constant 1664 : i32
    %dma_wait3A_319 = arith.constant 0 : i32
    %dma_wait3A_320 = tpu.memref_slice %arg10[%dma_wait3A_318, %dma_wait3A_319] : memref<3328x16xf32, #tpu.memory_space<vmem>> -> memref<128x16xf32, #tpu.memory_space<vmem>>
    %dma_wait3A_321 = arith.constant 1664 : i32
    %dma_wait3A_322 = tpu.memref_slice %arg8[%dma_wait3A_321] : memref<3328xi32, #tpu.memory_space<vmem>> -> memref<128xi32, #tpu.memory_space<vmem>>
    %dma_wait3A_323 = arith.constant 0 : i32
    %dma_wait3A_324 = arith.constant 0 : i32
    %dma_wait3A_325 = tpu.memref_slice %arg4[%dma_wait3A_323, %dma_wait3A_324] : memref<1000012x16xf32, #tpu.memory_space<hbm>> -> memref<1000012x16xf32, #tpu.memory_space<hbm>>
    tpu.wait_indirect_dma semaphore(%arg11 : memref<!tpu.dma_semaphore, #tpu.memory_space<semaphore_mem>>) src(%dma_wait3A_325 : memref<1000012x16xf32, #tpu.memory_space<hbm>>) dst(%dma_wait3A_320 : memref<128x16xf32, #tpu.memory_space<vmem>>)
    %dma_wait3A_326 = arith.constant 1792 : i32
    %dma_wait3A_327 = arith.constant 0 : i32
    %dma_wait3A_328 = tpu.memref_slice %arg10[%dma_wait3A_326, %dma_wait3A_327] : memref<3328x16xf32, #tpu.memory_space<vmem>> -> memref<128x16xf32, #tpu.memory_space<vmem>>
    %dma_wait3A_329 = arith.constant 1792 : i32
    %dma_wait3A_330 = tpu.memref_slice %arg8[%dma_wait3A_329] : memref<3328xi32, #tpu.memory_space<vmem>> -> memref<128xi32, #tpu.memory_space<vmem>>
    %dma_wait3A_331 = arith.constant 0 : i32
    %dma_wait3A_332 = arith.constant 0 : i32
    %dma_wait3A_333 = tpu.memref_slice %arg4[%dma_wait3A_331, %dma_wait3A_332] : memref<1000012x16xf32, #tpu.memory_space<hbm>> -> memref<1000012x16xf32, #tpu.memory_space<hbm>>
    tpu.wait_indirect_dma semaphore(%arg11 : memref<!tpu.dma_semaphore, #tpu.memory_space<semaphore_mem>>) src(%dma_wait3A_333 : memref<1000012x16xf32, #tpu.memory_space<hbm>>) dst(%dma_wait3A_328 : memref<128x16xf32, #tpu.memory_space<vmem>>)
    %dma_wait3A_334 = arith.constant 1920 : i32
    %dma_wait3A_335 = arith.constant 0 : i32
    %dma_wait3A_336 = tpu.memref_slice %arg10[%dma_wait3A_334, %dma_wait3A_335] : memref<3328x16xf32, #tpu.memory_space<vmem>> -> memref<128x16xf32, #tpu.memory_space<vmem>>
    %dma_wait3A_337 = arith.constant 1920 : i32
    %dma_wait3A_338 = tpu.memref_slice %arg8[%dma_wait3A_337] : memref<3328xi32, #tpu.memory_space<vmem>> -> memref<128xi32, #tpu.memory_space<vmem>>
    %dma_wait3A_339 = arith.constant 0 : i32
    %dma_wait3A_340 = arith.constant 0 : i32
    %dma_wait3A_341 = tpu.memref_slice %arg4[%dma_wait3A_339, %dma_wait3A_340] : memref<1000012x16xf32, #tpu.memory_space<hbm>> -> memref<1000012x16xf32, #tpu.memory_space<hbm>>
    tpu.wait_indirect_dma semaphore(%arg11 : memref<!tpu.dma_semaphore, #tpu.memory_space<semaphore_mem>>) src(%dma_wait3A_341 : memref<1000012x16xf32, #tpu.memory_space<hbm>>) dst(%dma_wait3A_336 : memref<128x16xf32, #tpu.memory_space<vmem>>)
    %dma_wait3A_342 = arith.constant 2048 : i32
    %dma_wait3A_343 = arith.constant 0 : i32
    %dma_wait3A_344 = tpu.memref_slice %arg10[%dma_wait3A_342, %dma_wait3A_343] : memref<3328x16xf32, #tpu.memory_space<vmem>> -> memref<128x16xf32, #tpu.memory_space<vmem>>
    %dma_wait3A_345 = arith.constant 2048 : i32
    %dma_wait3A_346 = tpu.memref_slice %arg8[%dma_wait3A_345] : memref<3328xi32, #tpu.memory_space<vmem>> -> memref<128xi32, #tpu.memory_space<vmem>>
    %dma_wait3A_347 = arith.constant 0 : i32
    %dma_wait3A_348 = arith.constant 0 : i32
    %dma_wait3A_349 = tpu.memref_slice %arg4[%dma_wait3A_347, %dma_wait3A_348] : memref<1000012x16xf32, #tpu.memory_space<hbm>> -> memref<1000012x16xf32, #tpu.memory_space<hbm>>
    tpu.wait_indirect_dma semaphore(%arg11 : memref<!tpu.dma_semaphore, #tpu.memory_space<semaphore_mem>>) src(%dma_wait3A_349 : memref<1000012x16xf32, #tpu.memory_space<hbm>>) dst(%dma_wait3A_344 : memref<128x16xf32, #tpu.memory_space<vmem>>)
    %dma_wait3A_350 = arith.constant 2176 : i32
    %dma_wait3A_351 = arith.constant 0 : i32
    %dma_wait3A_352 = tpu.memref_slice %arg10[%dma_wait3A_350, %dma_wait3A_351] : memref<3328x16xf32, #tpu.memory_space<vmem>> -> memref<128x16xf32, #tpu.memory_space<vmem>>
    %dma_wait3A_353 = arith.constant 2176 : i32
    %dma_wait3A_354 = tpu.memref_slice %arg8[%dma_wait3A_353] : memref<3328xi32, #tpu.memory_space<vmem>> -> memref<128xi32, #tpu.memory_space<vmem>>
    %dma_wait3A_355 = arith.constant 0 : i32
    %dma_wait3A_356 = arith.constant 0 : i32
    %dma_wait3A_357 = tpu.memref_slice %arg4[%dma_wait3A_355, %dma_wait3A_356] : memref<1000012x16xf32, #tpu.memory_space<hbm>> -> memref<1000012x16xf32, #tpu.memory_space<hbm>>
    tpu.wait_indirect_dma semaphore(%arg11 : memref<!tpu.dma_semaphore, #tpu.memory_space<semaphore_mem>>) src(%dma_wait3A_357 : memref<1000012x16xf32, #tpu.memory_space<hbm>>) dst(%dma_wait3A_352 : memref<128x16xf32, #tpu.memory_space<vmem>>)
    %dma_wait3A_358 = arith.constant 2304 : i32
    %dma_wait3A_359 = arith.constant 0 : i32
    %dma_wait3A_360 = tpu.memref_slice %arg10[%dma_wait3A_358, %dma_wait3A_359] : memref<3328x16xf32, #tpu.memory_space<vmem>> -> memref<128x16xf32, #tpu.memory_space<vmem>>
    %dma_wait3A_361 = arith.constant 2304 : i32
    %dma_wait3A_362 = tpu.memref_slice %arg8[%dma_wait3A_361] : memref<3328xi32, #tpu.memory_space<vmem>> -> memref<128xi32, #tpu.memory_space<vmem>>
    %dma_wait3A_363 = arith.constant 0 : i32
    %dma_wait3A_364 = arith.constant 0 : i32
    %dma_wait3A_365 = tpu.memref_slice %arg4[%dma_wait3A_363, %dma_wait3A_364] : memref<1000012x16xf32, #tpu.memory_space<hbm>> -> memref<1000012x16xf32, #tpu.memory_space<hbm>>
    tpu.wait_indirect_dma semaphore(%arg11 : memref<!tpu.dma_semaphore, #tpu.memory_space<semaphore_mem>>) src(%dma_wait3A_365 : memref<1000012x16xf32, #tpu.memory_space<hbm>>) dst(%dma_wait3A_360 : memref<128x16xf32, #tpu.memory_space<vmem>>)
    %dma_wait3A_366 = arith.constant 2432 : i32
    %dma_wait3A_367 = arith.constant 0 : i32
    %dma_wait3A_368 = tpu.memref_slice %arg10[%dma_wait3A_366, %dma_wait3A_367] : memref<3328x16xf32, #tpu.memory_space<vmem>> -> memref<128x16xf32, #tpu.memory_space<vmem>>
    %dma_wait3A_369 = arith.constant 2432 : i32
    %dma_wait3A_370 = tpu.memref_slice %arg8[%dma_wait3A_369] : memref<3328xi32, #tpu.memory_space<vmem>> -> memref<128xi32, #tpu.memory_space<vmem>>
    %dma_wait3A_371 = arith.constant 0 : i32
    %dma_wait3A_372 = arith.constant 0 : i32
    %dma_wait3A_373 = tpu.memref_slice %arg4[%dma_wait3A_371, %dma_wait3A_372] : memref<1000012x16xf32, #tpu.memory_space<hbm>> -> memref<1000012x16xf32, #tpu.memory_space<hbm>>
    tpu.wait_indirect_dma semaphore(%arg11 : memref<!tpu.dma_semaphore, #tpu.memory_space<semaphore_mem>>) src(%dma_wait3A_373 : memref<1000012x16xf32, #tpu.memory_space<hbm>>) dst(%dma_wait3A_368 : memref<128x16xf32, #tpu.memory_space<vmem>>)
    %dma_wait3A_374 = arith.constant 2560 : i32
    %dma_wait3A_375 = arith.constant 0 : i32
    %dma_wait3A_376 = tpu.memref_slice %arg10[%dma_wait3A_374, %dma_wait3A_375] : memref<3328x16xf32, #tpu.memory_space<vmem>> -> memref<128x16xf32, #tpu.memory_space<vmem>>
    %dma_wait3A_377 = arith.constant 2560 : i32
    %dma_wait3A_378 = tpu.memref_slice %arg8[%dma_wait3A_377] : memref<3328xi32, #tpu.memory_space<vmem>> -> memref<128xi32, #tpu.memory_space<vmem>>
    %dma_wait3A_379 = arith.constant 0 : i32
    %dma_wait3A_380 = arith.constant 0 : i32
    %dma_wait3A_381 = tpu.memref_slice %arg4[%dma_wait3A_379, %dma_wait3A_380] : memref<1000012x16xf32, #tpu.memory_space<hbm>> -> memref<1000012x16xf32, #tpu.memory_space<hbm>>
    tpu.wait_indirect_dma semaphore(%arg11 : memref<!tpu.dma_semaphore, #tpu.memory_space<semaphore_mem>>) src(%dma_wait3A_381 : memref<1000012x16xf32, #tpu.memory_space<hbm>>) dst(%dma_wait3A_376 : memref<128x16xf32, #tpu.memory_space<vmem>>)
    %dma_wait3A_382 = arith.constant 2688 : i32
    %dma_wait3A_383 = arith.constant 0 : i32
    %dma_wait3A_384 = tpu.memref_slice %arg10[%dma_wait3A_382, %dma_wait3A_383] : memref<3328x16xf32, #tpu.memory_space<vmem>> -> memref<128x16xf32, #tpu.memory_space<vmem>>
    %dma_wait3A_385 = arith.constant 2688 : i32
    %dma_wait3A_386 = tpu.memref_slice %arg8[%dma_wait3A_385] : memref<3328xi32, #tpu.memory_space<vmem>> -> memref<128xi32, #tpu.memory_space<vmem>>
    %dma_wait3A_387 = arith.constant 0 : i32
    %dma_wait3A_388 = arith.constant 0 : i32
    %dma_wait3A_389 = tpu.memref_slice %arg4[%dma_wait3A_387, %dma_wait3A_388] : memref<1000012x16xf32, #tpu.memory_space<hbm>> -> memref<1000012x16xf32, #tpu.memory_space<hbm>>
    tpu.wait_indirect_dma semaphore(%arg11 : memref<!tpu.dma_semaphore, #tpu.memory_space<semaphore_mem>>) src(%dma_wait3A_389 : memref<1000012x16xf32, #tpu.memory_space<hbm>>) dst(%dma_wait3A_384 : memref<128x16xf32, #tpu.memory_space<vmem>>)
    %dma_wait3A_390 = arith.constant 2816 : i32
    %dma_wait3A_391 = arith.constant 0 : i32
    %dma_wait3A_392 = tpu.memref_slice %arg10[%dma_wait3A_390, %dma_wait3A_391] : memref<3328x16xf32, #tpu.memory_space<vmem>> -> memref<128x16xf32, #tpu.memory_space<vmem>>
    %dma_wait3A_393 = arith.constant 2816 : i32
    %dma_wait3A_394 = tpu.memref_slice %arg8[%dma_wait3A_393] : memref<3328xi32, #tpu.memory_space<vmem>> -> memref<128xi32, #tpu.memory_space<vmem>>
    %dma_wait3A_395 = arith.constant 0 : i32
    %dma_wait3A_396 = arith.constant 0 : i32
    %dma_wait3A_397 = tpu.memref_slice %arg4[%dma_wait3A_395, %dma_wait3A_396] : memref<1000012x16xf32, #tpu.memory_space<hbm>> -> memref<1000012x16xf32, #tpu.memory_space<hbm>>
    tpu.wait_indirect_dma semaphore(%arg11 : memref<!tpu.dma_semaphore, #tpu.memory_space<semaphore_mem>>) src(%dma_wait3A_397 : memref<1000012x16xf32, #tpu.memory_space<hbm>>) dst(%dma_wait3A_392 : memref<128x16xf32, #tpu.memory_space<vmem>>)
    %dma_wait3A_398 = arith.constant 2944 : i32
    %dma_wait3A_399 = arith.constant 0 : i32
    %dma_wait3A_400 = tpu.memref_slice %arg10[%dma_wait3A_398, %dma_wait3A_399] : memref<3328x16xf32, #tpu.memory_space<vmem>> -> memref<128x16xf32, #tpu.memory_space<vmem>>
    %dma_wait3A_401 = arith.constant 2944 : i32
    %dma_wait3A_402 = tpu.memref_slice %arg8[%dma_wait3A_401] : memref<3328xi32, #tpu.memory_space<vmem>> -> memref<128xi32, #tpu.memory_space<vmem>>
    %dma_wait3A_403 = arith.constant 0 : i32
    %dma_wait3A_404 = arith.constant 0 : i32
    %dma_wait3A_405 = tpu.memref_slice %arg4[%dma_wait3A_403, %dma_wait3A_404] : memref<1000012x16xf32, #tpu.memory_space<hbm>> -> memref<1000012x16xf32, #tpu.memory_space<hbm>>
    tpu.wait_indirect_dma semaphore(%arg11 : memref<!tpu.dma_semaphore, #tpu.memory_space<semaphore_mem>>) src(%dma_wait3A_405 : memref<1000012x16xf32, #tpu.memory_space<hbm>>) dst(%dma_wait3A_400 : memref<128x16xf32, #tpu.memory_space<vmem>>)
    %dma_wait3A_406 = arith.constant 3072 : i32
    %dma_wait3A_407 = arith.constant 0 : i32
    %dma_wait3A_408 = tpu.memref_slice %arg10[%dma_wait3A_406, %dma_wait3A_407] : memref<3328x16xf32, #tpu.memory_space<vmem>> -> memref<128x16xf32, #tpu.memory_space<vmem>>
    %dma_wait3A_409 = arith.constant 3072 : i32
    %dma_wait3A_410 = tpu.memref_slice %arg8[%dma_wait3A_409] : memref<3328xi32, #tpu.memory_space<vmem>> -> memref<128xi32, #tpu.memory_space<vmem>>
    %dma_wait3A_411 = arith.constant 0 : i32
    %dma_wait3A_412 = arith.constant 0 : i32
    %dma_wait3A_413 = tpu.memref_slice %arg4[%dma_wait3A_411, %dma_wait3A_412] : memref<1000012x16xf32, #tpu.memory_space<hbm>> -> memref<1000012x16xf32, #tpu.memory_space<hbm>>
    tpu.wait_indirect_dma semaphore(%arg11 : memref<!tpu.dma_semaphore, #tpu.memory_space<semaphore_mem>>) src(%dma_wait3A_413 : memref<1000012x16xf32, #tpu.memory_space<hbm>>) dst(%dma_wait3A_408 : memref<128x16xf32, #tpu.memory_space<vmem>>)
    %dma_wait3A_414 = arith.constant 3200 : i32
    %dma_wait3A_415 = arith.constant 0 : i32
    %dma_wait3A_416 = tpu.memref_slice %arg10[%dma_wait3A_414, %dma_wait3A_415] : memref<3328x16xf32, #tpu.memory_space<vmem>> -> memref<128x16xf32, #tpu.memory_space<vmem>>
    %dma_wait3A_417 = arith.constant 3200 : i32
    %dma_wait3A_418 = tpu.memref_slice %arg8[%dma_wait3A_417] : memref<3328xi32, #tpu.memory_space<vmem>> -> memref<128xi32, #tpu.memory_space<vmem>>
    %dma_wait3A_419 = arith.constant 0 : i32
    %dma_wait3A_420 = arith.constant 0 : i32
    %dma_wait3A_421 = tpu.memref_slice %arg4[%dma_wait3A_419, %dma_wait3A_420] : memref<1000012x16xf32, #tpu.memory_space<hbm>> -> memref<1000012x16xf32, #tpu.memory_space<hbm>>
    tpu.wait_indirect_dma semaphore(%arg11 : memref<!tpu.dma_semaphore, #tpu.memory_space<semaphore_mem>>) src(%dma_wait3A_421 : memref<1000012x16xf32, #tpu.memory_space<hbm>>) dst(%dma_wait3A_416 : memref<128x16xf32, #tpu.memory_space<vmem>>)
    "tpu.region"() ({
      %run_scoped3A = tpu.sem_alloc : memref<!tpu.dma_semaphore, #tpu.memory_space<semaphore_mem>>
      %dma_start3A_838 = arith.constant 0 : i32
      %dma_start3A_839 = tpu.memref_slice %arg6[%mul3A_2, %dma_start3A_838] : memref<106496x16xf32, #tpu.memory_space<hbm>> -> memref<3328x16xf32, #tpu.memory_space<hbm>>
      %dma_start3A_840 = arith.constant 0 : i32
      %dma_start3A_841 = tpu.memref_slice %arg6[%mul3A_2, %dma_start3A_840] : memref<106496x16xf32, #tpu.memory_space<hbm>> -> memref<3328x16xf32, #tpu.memory_space<hbm>>
      tpu.enqueue_dma source(%arg10 : memref<3328x16xf32, #tpu.memory_space<vmem>>) target(%dma_start3A_841 : memref<3328x16xf32, #tpu.memory_space<hbm>>) target_semaphore(%run_scoped3A : memref<!tpu.dma_semaphore, #tpu.memory_space<semaphore_mem>>)
      %dma_wait3A_842 = arith.constant 0 : i32
      %dma_wait3A_843 = tpu.memref_slice %arg6[%mul3A_2, %dma_wait3A_842] : memref<106496x16xf32, #tpu.memory_space<hbm>> -> memref<3328x16xf32, #tpu.memory_space<hbm>>
      %dma_wait3A_844 = arith.constant 0 : i32
      %dma_wait3A_845 = tpu.memref_slice %arg6[%mul3A_2, %dma_wait3A_844] : memref<106496x16xf32, #tpu.memory_space<hbm>> -> memref<3328x16xf32, #tpu.memory_space<hbm>>
      tpu.wait_dma2 semaphore(%run_scoped3A : memref<!tpu.dma_semaphore, #tpu.memory_space<semaphore_mem>>) src(%arg10 : memref<3328x16xf32, #tpu.memory_space<vmem>>) dst(%dma_wait3A_845 : memref<3328x16xf32, #tpu.memory_space<hbm>>)
      tpu.yield
    }) : () -> ()
    %dma_start3A_422 = arith.constant 0 : i32
    %dma_start3A_423 = arith.constant 0 : i32
    %dma_start3A_424 = tpu.memref_slice %arg10[%dma_start3A_422, %dma_start3A_423] : memref<3328x16xf32, #tpu.memory_space<vmem>> -> memref<128x16xf32, #tpu.memory_space<vmem>>
    %dma_start3A_425 = arith.constant 0 : i32
    %dma_start3A_426 = tpu.memref_slice %arg8[%dma_start3A_425] : memref<3328xi32, #tpu.memory_space<vmem>> -> memref<128xi32, #tpu.memory_space<vmem>>
    %dma_start3A_427 = arith.constant 0 : i32
    %dma_start3A_428 = arith.constant 0 : i32
    %dma_start3A_429 = tpu.memref_slice %arg5[%dma_start3A_427, %dma_start3A_428] : memref<1000012x16xf32, #tpu.memory_space<hbm>> -> memref<1000012x16xf32, #tpu.memory_space<hbm>>
    tpu.enqueue_indirect_dma source(%dma_start3A_429 : memref<1000012x16xf32, #tpu.memory_space<hbm>>) target(%dma_start3A_424 : memref<128x16xf32, #tpu.memory_space<vmem>>) offsets(%dma_start3A_426 : memref<128xi32, #tpu.memory_space<vmem>>) semaphore(%arg11 : memref<!tpu.dma_semaphore, #tpu.memory_space<semaphore_mem>>)
    %dma_start3A_430 = arith.constant 128 : i32
    %dma_start3A_431 = arith.constant 0 : i32
    %dma_start3A_432 = tpu.memref_slice %arg10[%dma_start3A_430, %dma_start3A_431] : memref<3328x16xf32, #tpu.memory_space<vmem>> -> memref<128x16xf32, #tpu.memory_space<vmem>>
    %dma_start3A_433 = arith.constant 128 : i32
    %dma_start3A_434 = tpu.memref_slice %arg8[%dma_start3A_433] : memref<3328xi32, #tpu.memory_space<vmem>> -> memref<128xi32, #tpu.memory_space<vmem>>
    %dma_start3A_435 = arith.constant 0 : i32
    %dma_start3A_436 = arith.constant 0 : i32
    %dma_start3A_437 = tpu.memref_slice %arg5[%dma_start3A_435, %dma_start3A_436] : memref<1000012x16xf32, #tpu.memory_space<hbm>> -> memref<1000012x16xf32, #tpu.memory_space<hbm>>
    tpu.enqueue_indirect_dma source(%dma_start3A_437 : memref<1000012x16xf32, #tpu.memory_space<hbm>>) target(%dma_start3A_432 : memref<128x16xf32, #tpu.memory_space<vmem>>) offsets(%dma_start3A_434 : memref<128xi32, #tpu.memory_space<vmem>>) semaphore(%arg11 : memref<!tpu.dma_semaphore, #tpu.memory_space<semaphore_mem>>)
    %dma_start3A_438 = arith.constant 256 : i32
    %dma_start3A_439 = arith.constant 0 : i32
    %dma_start3A_440 = tpu.memref_slice %arg10[%dma_start3A_438, %dma_start3A_439] : memref<3328x16xf32, #tpu.memory_space<vmem>> -> memref<128x16xf32, #tpu.memory_space<vmem>>
    %dma_start3A_441 = arith.constant 256 : i32
    %dma_start3A_442 = tpu.memref_slice %arg8[%dma_start3A_441] : memref<3328xi32, #tpu.memory_space<vmem>> -> memref<128xi32, #tpu.memory_space<vmem>>
    %dma_start3A_443 = arith.constant 0 : i32
    %dma_start3A_444 = arith.constant 0 : i32
    %dma_start3A_445 = tpu.memref_slice %arg5[%dma_start3A_443, %dma_start3A_444] : memref<1000012x16xf32, #tpu.memory_space<hbm>> -> memref<1000012x16xf32, #tpu.memory_space<hbm>>
    tpu.enqueue_indirect_dma source(%dma_start3A_445 : memref<1000012x16xf32, #tpu.memory_space<hbm>>) target(%dma_start3A_440 : memref<128x16xf32, #tpu.memory_space<vmem>>) offsets(%dma_start3A_442 : memref<128xi32, #tpu.memory_space<vmem>>) semaphore(%arg11 : memref<!tpu.dma_semaphore, #tpu.memory_space<semaphore_mem>>)
    %dma_start3A_446 = arith.constant 384 : i32
    %dma_start3A_447 = arith.constant 0 : i32
    %dma_start3A_448 = tpu.memref_slice %arg10[%dma_start3A_446, %dma_start3A_447] : memref<3328x16xf32, #tpu.memory_space<vmem>> -> memref<128x16xf32, #tpu.memory_space<vmem>>
    %dma_start3A_449 = arith.constant 384 : i32
    %dma_start3A_450 = tpu.memref_slice %arg8[%dma_start3A_449] : memref<3328xi32, #tpu.memory_space<vmem>> -> memref<128xi32, #tpu.memory_space<vmem>>
    %dma_start3A_451 = arith.constant 0 : i32
    %dma_start3A_452 = arith.constant 0 : i32
    %dma_start3A_453 = tpu.memref_slice %arg5[%dma_start3A_451, %dma_start3A_452] : memref<1000012x16xf32, #tpu.memory_space<hbm>> -> memref<1000012x16xf32, #tpu.memory_space<hbm>>
    tpu.enqueue_indirect_dma source(%dma_start3A_453 : memref<1000012x16xf32, #tpu.memory_space<hbm>>) target(%dma_start3A_448 : memref<128x16xf32, #tpu.memory_space<vmem>>) offsets(%dma_start3A_450 : memref<128xi32, #tpu.memory_space<vmem>>) semaphore(%arg11 : memref<!tpu.dma_semaphore, #tpu.memory_space<semaphore_mem>>)
    %dma_start3A_454 = arith.constant 512 : i32
    %dma_start3A_455 = arith.constant 0 : i32
    %dma_start3A_456 = tpu.memref_slice %arg10[%dma_start3A_454, %dma_start3A_455] : memref<3328x16xf32, #tpu.memory_space<vmem>> -> memref<128x16xf32, #tpu.memory_space<vmem>>
    %dma_start3A_457 = arith.constant 512 : i32
    %dma_start3A_458 = tpu.memref_slice %arg8[%dma_start3A_457] : memref<3328xi32, #tpu.memory_space<vmem>> -> memref<128xi32, #tpu.memory_space<vmem>>
    %dma_start3A_459 = arith.constant 0 : i32
    %dma_start3A_460 = arith.constant 0 : i32
    %dma_start3A_461 = tpu.memref_slice %arg5[%dma_start3A_459, %dma_start3A_460] : memref<1000012x16xf32, #tpu.memory_space<hbm>> -> memref<1000012x16xf32, #tpu.memory_space<hbm>>
    tpu.enqueue_indirect_dma source(%dma_start3A_461 : memref<1000012x16xf32, #tpu.memory_space<hbm>>) target(%dma_start3A_456 : memref<128x16xf32, #tpu.memory_space<vmem>>) offsets(%dma_start3A_458 : memref<128xi32, #tpu.memory_space<vmem>>) semaphore(%arg11 : memref<!tpu.dma_semaphore, #tpu.memory_space<semaphore_mem>>)
    %dma_start3A_462 = arith.constant 640 : i32
    %dma_start3A_463 = arith.constant 0 : i32
    %dma_start3A_464 = tpu.memref_slice %arg10[%dma_start3A_462, %dma_start3A_463] : memref<3328x16xf32, #tpu.memory_space<vmem>> -> memref<128x16xf32, #tpu.memory_space<vmem>>
    %dma_start3A_465 = arith.constant 640 : i32
    %dma_start3A_466 = tpu.memref_slice %arg8[%dma_start3A_465] : memref<3328xi32, #tpu.memory_space<vmem>> -> memref<128xi32, #tpu.memory_space<vmem>>
    %dma_start3A_467 = arith.constant 0 : i32
    %dma_start3A_468 = arith.constant 0 : i32
    %dma_start3A_469 = tpu.memref_slice %arg5[%dma_start3A_467, %dma_start3A_468] : memref<1000012x16xf32, #tpu.memory_space<hbm>> -> memref<1000012x16xf32, #tpu.memory_space<hbm>>
    tpu.enqueue_indirect_dma source(%dma_start3A_469 : memref<1000012x16xf32, #tpu.memory_space<hbm>>) target(%dma_start3A_464 : memref<128x16xf32, #tpu.memory_space<vmem>>) offsets(%dma_start3A_466 : memref<128xi32, #tpu.memory_space<vmem>>) semaphore(%arg11 : memref<!tpu.dma_semaphore, #tpu.memory_space<semaphore_mem>>)
    %dma_start3A_470 = arith.constant 768 : i32
    %dma_start3A_471 = arith.constant 0 : i32
    %dma_start3A_472 = tpu.memref_slice %arg10[%dma_start3A_470, %dma_start3A_471] : memref<3328x16xf32, #tpu.memory_space<vmem>> -> memref<128x16xf32, #tpu.memory_space<vmem>>
    %dma_start3A_473 = arith.constant 768 : i32
    %dma_start3A_474 = tpu.memref_slice %arg8[%dma_start3A_473] : memref<3328xi32, #tpu.memory_space<vmem>> -> memref<128xi32, #tpu.memory_space<vmem>>
    %dma_start3A_475 = arith.constant 0 : i32
    %dma_start3A_476 = arith.constant 0 : i32
    %dma_start3A_477 = tpu.memref_slice %arg5[%dma_start3A_475, %dma_start3A_476] : memref<1000012x16xf32, #tpu.memory_space<hbm>> -> memref<1000012x16xf32, #tpu.memory_space<hbm>>
    tpu.enqueue_indirect_dma source(%dma_start3A_477 : memref<1000012x16xf32, #tpu.memory_space<hbm>>) target(%dma_start3A_472 : memref<128x16xf32, #tpu.memory_space<vmem>>) offsets(%dma_start3A_474 : memref<128xi32, #tpu.memory_space<vmem>>) semaphore(%arg11 : memref<!tpu.dma_semaphore, #tpu.memory_space<semaphore_mem>>)
    %dma_start3A_478 = arith.constant 896 : i32
    %dma_start3A_479 = arith.constant 0 : i32
    %dma_start3A_480 = tpu.memref_slice %arg10[%dma_start3A_478, %dma_start3A_479] : memref<3328x16xf32, #tpu.memory_space<vmem>> -> memref<128x16xf32, #tpu.memory_space<vmem>>
    %dma_start3A_481 = arith.constant 896 : i32
    %dma_start3A_482 = tpu.memref_slice %arg8[%dma_start3A_481] : memref<3328xi32, #tpu.memory_space<vmem>> -> memref<128xi32, #tpu.memory_space<vmem>>
    %dma_start3A_483 = arith.constant 0 : i32
    %dma_start3A_484 = arith.constant 0 : i32
    %dma_start3A_485 = tpu.memref_slice %arg5[%dma_start3A_483, %dma_start3A_484] : memref<1000012x16xf32, #tpu.memory_space<hbm>> -> memref<1000012x16xf32, #tpu.memory_space<hbm>>
    tpu.enqueue_indirect_dma source(%dma_start3A_485 : memref<1000012x16xf32, #tpu.memory_space<hbm>>) target(%dma_start3A_480 : memref<128x16xf32, #tpu.memory_space<vmem>>) offsets(%dma_start3A_482 : memref<128xi32, #tpu.memory_space<vmem>>) semaphore(%arg11 : memref<!tpu.dma_semaphore, #tpu.memory_space<semaphore_mem>>)
    %dma_start3A_486 = arith.constant 1024 : i32
    %dma_start3A_487 = arith.constant 0 : i32
    %dma_start3A_488 = tpu.memref_slice %arg10[%dma_start3A_486, %dma_start3A_487] : memref<3328x16xf32, #tpu.memory_space<vmem>> -> memref<128x16xf32, #tpu.memory_space<vmem>>
    %dma_start3A_489 = arith.constant 1024 : i32
    %dma_start3A_490 = tpu.memref_slice %arg8[%dma_start3A_489] : memref<3328xi32, #tpu.memory_space<vmem>> -> memref<128xi32, #tpu.memory_space<vmem>>
    %dma_start3A_491 = arith.constant 0 : i32
    %dma_start3A_492 = arith.constant 0 : i32
    %dma_start3A_493 = tpu.memref_slice %arg5[%dma_start3A_491, %dma_start3A_492] : memref<1000012x16xf32, #tpu.memory_space<hbm>> -> memref<1000012x16xf32, #tpu.memory_space<hbm>>
    tpu.enqueue_indirect_dma source(%dma_start3A_493 : memref<1000012x16xf32, #tpu.memory_space<hbm>>) target(%dma_start3A_488 : memref<128x16xf32, #tpu.memory_space<vmem>>) offsets(%dma_start3A_490 : memref<128xi32, #tpu.memory_space<vmem>>) semaphore(%arg11 : memref<!tpu.dma_semaphore, #tpu.memory_space<semaphore_mem>>)
    %dma_start3A_494 = arith.constant 1152 : i32
    %dma_start3A_495 = arith.constant 0 : i32
    %dma_start3A_496 = tpu.memref_slice %arg10[%dma_start3A_494, %dma_start3A_495] : memref<3328x16xf32, #tpu.memory_space<vmem>> -> memref<128x16xf32, #tpu.memory_space<vmem>>
    %dma_start3A_497 = arith.constant 1152 : i32
    %dma_start3A_498 = tpu.memref_slice %arg8[%dma_start3A_497] : memref<3328xi32, #tpu.memory_space<vmem>> -> memref<128xi32, #tpu.memory_space<vmem>>
    %dma_start3A_499 = arith.constant 0 : i32
    %dma_start3A_500 = arith.constant 0 : i32
    %dma_start3A_501 = tpu.memref_slice %arg5[%dma_start3A_499, %dma_start3A_500] : memref<1000012x16xf32, #tpu.memory_space<hbm>> -> memref<1000012x16xf32, #tpu.memory_space<hbm>>
    tpu.enqueue_indirect_dma source(%dma_start3A_501 : memref<1000012x16xf32, #tpu.memory_space<hbm>>) target(%dma_start3A_496 : memref<128x16xf32, #tpu.memory_space<vmem>>) offsets(%dma_start3A_498 : memref<128xi32, #tpu.memory_space<vmem>>) semaphore(%arg11 : memref<!tpu.dma_semaphore, #tpu.memory_space<semaphore_mem>>)
    %dma_start3A_502 = arith.constant 1280 : i32
    %dma_start3A_503 = arith.constant 0 : i32
    %dma_start3A_504 = tpu.memref_slice %arg10[%dma_start3A_502, %dma_start3A_503] : memref<3328x16xf32, #tpu.memory_space<vmem>> -> memref<128x16xf32, #tpu.memory_space<vmem>>
    %dma_start3A_505 = arith.constant 1280 : i32
    %dma_start3A_506 = tpu.memref_slice %arg8[%dma_start3A_505] : memref<3328xi32, #tpu.memory_space<vmem>> -> memref<128xi32, #tpu.memory_space<vmem>>
    %dma_start3A_507 = arith.constant 0 : i32
    %dma_start3A_508 = arith.constant 0 : i32
    %dma_start3A_509 = tpu.memref_slice %arg5[%dma_start3A_507, %dma_start3A_508] : memref<1000012x16xf32, #tpu.memory_space<hbm>> -> memref<1000012x16xf32, #tpu.memory_space<hbm>>
    tpu.enqueue_indirect_dma source(%dma_start3A_509 : memref<1000012x16xf32, #tpu.memory_space<hbm>>) target(%dma_start3A_504 : memref<128x16xf32, #tpu.memory_space<vmem>>) offsets(%dma_start3A_506 : memref<128xi32, #tpu.memory_space<vmem>>) semaphore(%arg11 : memref<!tpu.dma_semaphore, #tpu.memory_space<semaphore_mem>>)
    %dma_start3A_510 = arith.constant 1408 : i32
    %dma_start3A_511 = arith.constant 0 : i32
    %dma_start3A_512 = tpu.memref_slice %arg10[%dma_start3A_510, %dma_start3A_511] : memref<3328x16xf32, #tpu.memory_space<vmem>> -> memref<128x16xf32, #tpu.memory_space<vmem>>
    %dma_start3A_513 = arith.constant 1408 : i32
    %dma_start3A_514 = tpu.memref_slice %arg8[%dma_start3A_513] : memref<3328xi32, #tpu.memory_space<vmem>> -> memref<128xi32, #tpu.memory_space<vmem>>
    %dma_start3A_515 = arith.constant 0 : i32
    %dma_start3A_516 = arith.constant 0 : i32
    %dma_start3A_517 = tpu.memref_slice %arg5[%dma_start3A_515, %dma_start3A_516] : memref<1000012x16xf32, #tpu.memory_space<hbm>> -> memref<1000012x16xf32, #tpu.memory_space<hbm>>
    tpu.enqueue_indirect_dma source(%dma_start3A_517 : memref<1000012x16xf32, #tpu.memory_space<hbm>>) target(%dma_start3A_512 : memref<128x16xf32, #tpu.memory_space<vmem>>) offsets(%dma_start3A_514 : memref<128xi32, #tpu.memory_space<vmem>>) semaphore(%arg11 : memref<!tpu.dma_semaphore, #tpu.memory_space<semaphore_mem>>)
    %dma_start3A_518 = arith.constant 1536 : i32
    %dma_start3A_519 = arith.constant 0 : i32
    %dma_start3A_520 = tpu.memref_slice %arg10[%dma_start3A_518, %dma_start3A_519] : memref<3328x16xf32, #tpu.memory_space<vmem>> -> memref<128x16xf32, #tpu.memory_space<vmem>>
    %dma_start3A_521 = arith.constant 1536 : i32
    %dma_start3A_522 = tpu.memref_slice %arg8[%dma_start3A_521] : memref<3328xi32, #tpu.memory_space<vmem>> -> memref<128xi32, #tpu.memory_space<vmem>>
    %dma_start3A_523 = arith.constant 0 : i32
    %dma_start3A_524 = arith.constant 0 : i32
    %dma_start3A_525 = tpu.memref_slice %arg5[%dma_start3A_523, %dma_start3A_524] : memref<1000012x16xf32, #tpu.memory_space<hbm>> -> memref<1000012x16xf32, #tpu.memory_space<hbm>>
    tpu.enqueue_indirect_dma source(%dma_start3A_525 : memref<1000012x16xf32, #tpu.memory_space<hbm>>) target(%dma_start3A_520 : memref<128x16xf32, #tpu.memory_space<vmem>>) offsets(%dma_start3A_522 : memref<128xi32, #tpu.memory_space<vmem>>) semaphore(%arg11 : memref<!tpu.dma_semaphore, #tpu.memory_space<semaphore_mem>>)
    %dma_start3A_526 = arith.constant 1664 : i32
    %dma_start3A_527 = arith.constant 0 : i32
    %dma_start3A_528 = tpu.memref_slice %arg10[%dma_start3A_526, %dma_start3A_527] : memref<3328x16xf32, #tpu.memory_space<vmem>> -> memref<128x16xf32, #tpu.memory_space<vmem>>
    %dma_start3A_529 = arith.constant 1664 : i32
    %dma_start3A_530 = tpu.memref_slice %arg8[%dma_start3A_529] : memref<3328xi32, #tpu.memory_space<vmem>> -> memref<128xi32, #tpu.memory_space<vmem>>
    %dma_start3A_531 = arith.constant 0 : i32
    %dma_start3A_532 = arith.constant 0 : i32
    %dma_start3A_533 = tpu.memref_slice %arg5[%dma_start3A_531, %dma_start3A_532] : memref<1000012x16xf32, #tpu.memory_space<hbm>> -> memref<1000012x16xf32, #tpu.memory_space<hbm>>
    tpu.enqueue_indirect_dma source(%dma_start3A_533 : memref<1000012x16xf32, #tpu.memory_space<hbm>>) target(%dma_start3A_528 : memref<128x16xf32, #tpu.memory_space<vmem>>) offsets(%dma_start3A_530 : memref<128xi32, #tpu.memory_space<vmem>>) semaphore(%arg11 : memref<!tpu.dma_semaphore, #tpu.memory_space<semaphore_mem>>)
    %dma_start3A_534 = arith.constant 1792 : i32
    %dma_start3A_535 = arith.constant 0 : i32
    %dma_start3A_536 = tpu.memref_slice %arg10[%dma_start3A_534, %dma_start3A_535] : memref<3328x16xf32, #tpu.memory_space<vmem>> -> memref<128x16xf32, #tpu.memory_space<vmem>>
    %dma_start3A_537 = arith.constant 1792 : i32
    %dma_start3A_538 = tpu.memref_slice %arg8[%dma_start3A_537] : memref<3328xi32, #tpu.memory_space<vmem>> -> memref<128xi32, #tpu.memory_space<vmem>>
    %dma_start3A_539 = arith.constant 0 : i32
    %dma_start3A_540 = arith.constant 0 : i32
    %dma_start3A_541 = tpu.memref_slice %arg5[%dma_start3A_539, %dma_start3A_540] : memref<1000012x16xf32, #tpu.memory_space<hbm>> -> memref<1000012x16xf32, #tpu.memory_space<hbm>>
    tpu.enqueue_indirect_dma source(%dma_start3A_541 : memref<1000012x16xf32, #tpu.memory_space<hbm>>) target(%dma_start3A_536 : memref<128x16xf32, #tpu.memory_space<vmem>>) offsets(%dma_start3A_538 : memref<128xi32, #tpu.memory_space<vmem>>) semaphore(%arg11 : memref<!tpu.dma_semaphore, #tpu.memory_space<semaphore_mem>>)
    %dma_start3A_542 = arith.constant 1920 : i32
    %dma_start3A_543 = arith.constant 0 : i32
    %dma_start3A_544 = tpu.memref_slice %arg10[%dma_start3A_542, %dma_start3A_543] : memref<3328x16xf32, #tpu.memory_space<vmem>> -> memref<128x16xf32, #tpu.memory_space<vmem>>
    %dma_start3A_545 = arith.constant 1920 : i32
    %dma_start3A_546 = tpu.memref_slice %arg8[%dma_start3A_545] : memref<3328xi32, #tpu.memory_space<vmem>> -> memref<128xi32, #tpu.memory_space<vmem>>
    %dma_start3A_547 = arith.constant 0 : i32
    %dma_start3A_548 = arith.constant 0 : i32
    %dma_start3A_549 = tpu.memref_slice %arg5[%dma_start3A_547, %dma_start3A_548] : memref<1000012x16xf32, #tpu.memory_space<hbm>> -> memref<1000012x16xf32, #tpu.memory_space<hbm>>
    tpu.enqueue_indirect_dma source(%dma_start3A_549 : memref<1000012x16xf32, #tpu.memory_space<hbm>>) target(%dma_start3A_544 : memref<128x16xf32, #tpu.memory_space<vmem>>) offsets(%dma_start3A_546 : memref<128xi32, #tpu.memory_space<vmem>>) semaphore(%arg11 : memref<!tpu.dma_semaphore, #tpu.memory_space<semaphore_mem>>)
    %dma_start3A_550 = arith.constant 2048 : i32
    %dma_start3A_551 = arith.constant 0 : i32
    %dma_start3A_552 = tpu.memref_slice %arg10[%dma_start3A_550, %dma_start3A_551] : memref<3328x16xf32, #tpu.memory_space<vmem>> -> memref<128x16xf32, #tpu.memory_space<vmem>>
    %dma_start3A_553 = arith.constant 2048 : i32
    %dma_start3A_554 = tpu.memref_slice %arg8[%dma_start3A_553] : memref<3328xi32, #tpu.memory_space<vmem>> -> memref<128xi32, #tpu.memory_space<vmem>>
    %dma_start3A_555 = arith.constant 0 : i32
    %dma_start3A_556 = arith.constant 0 : i32
    %dma_start3A_557 = tpu.memref_slice %arg5[%dma_start3A_555, %dma_start3A_556] : memref<1000012x16xf32, #tpu.memory_space<hbm>> -> memref<1000012x16xf32, #tpu.memory_space<hbm>>
    tpu.enqueue_indirect_dma source(%dma_start3A_557 : memref<1000012x16xf32, #tpu.memory_space<hbm>>) target(%dma_start3A_552 : memref<128x16xf32, #tpu.memory_space<vmem>>) offsets(%dma_start3A_554 : memref<128xi32, #tpu.memory_space<vmem>>) semaphore(%arg11 : memref<!tpu.dma_semaphore, #tpu.memory_space<semaphore_mem>>)
    %dma_start3A_558 = arith.constant 2176 : i32
    %dma_start3A_559 = arith.constant 0 : i32
    %dma_start3A_560 = tpu.memref_slice %arg10[%dma_start3A_558, %dma_start3A_559] : memref<3328x16xf32, #tpu.memory_space<vmem>> -> memref<128x16xf32, #tpu.memory_space<vmem>>
    %dma_start3A_561 = arith.constant 2176 : i32
    %dma_start3A_562 = tpu.memref_slice %arg8[%dma_start3A_561] : memref<3328xi32, #tpu.memory_space<vmem>> -> memref<128xi32, #tpu.memory_space<vmem>>
    %dma_start3A_563 = arith.constant 0 : i32
    %dma_start3A_564 = arith.constant 0 : i32
    %dma_start3A_565 = tpu.memref_slice %arg5[%dma_start3A_563, %dma_start3A_564] : memref<1000012x16xf32, #tpu.memory_space<hbm>> -> memref<1000012x16xf32, #tpu.memory_space<hbm>>
    tpu.enqueue_indirect_dma source(%dma_start3A_565 : memref<1000012x16xf32, #tpu.memory_space<hbm>>) target(%dma_start3A_560 : memref<128x16xf32, #tpu.memory_space<vmem>>) offsets(%dma_start3A_562 : memref<128xi32, #tpu.memory_space<vmem>>) semaphore(%arg11 : memref<!tpu.dma_semaphore, #tpu.memory_space<semaphore_mem>>)
    %dma_start3A_566 = arith.constant 2304 : i32
    %dma_start3A_567 = arith.constant 0 : i32
    %dma_start3A_568 = tpu.memref_slice %arg10[%dma_start3A_566, %dma_start3A_567] : memref<3328x16xf32, #tpu.memory_space<vmem>> -> memref<128x16xf32, #tpu.memory_space<vmem>>
    %dma_start3A_569 = arith.constant 2304 : i32
    %dma_start3A_570 = tpu.memref_slice %arg8[%dma_start3A_569] : memref<3328xi32, #tpu.memory_space<vmem>> -> memref<128xi32, #tpu.memory_space<vmem>>
    %dma_start3A_571 = arith.constant 0 : i32
    %dma_start3A_572 = arith.constant 0 : i32
    %dma_start3A_573 = tpu.memref_slice %arg5[%dma_start3A_571, %dma_start3A_572] : memref<1000012x16xf32, #tpu.memory_space<hbm>> -> memref<1000012x16xf32, #tpu.memory_space<hbm>>
    tpu.enqueue_indirect_dma source(%dma_start3A_573 : memref<1000012x16xf32, #tpu.memory_space<hbm>>) target(%dma_start3A_568 : memref<128x16xf32, #tpu.memory_space<vmem>>) offsets(%dma_start3A_570 : memref<128xi32, #tpu.memory_space<vmem>>) semaphore(%arg11 : memref<!tpu.dma_semaphore, #tpu.memory_space<semaphore_mem>>)
    %dma_start3A_574 = arith.constant 2432 : i32
    %dma_start3A_575 = arith.constant 0 : i32
    %dma_start3A_576 = tpu.memref_slice %arg10[%dma_start3A_574, %dma_start3A_575] : memref<3328x16xf32, #tpu.memory_space<vmem>> -> memref<128x16xf32, #tpu.memory_space<vmem>>
    %dma_start3A_577 = arith.constant 2432 : i32
    %dma_start3A_578 = tpu.memref_slice %arg8[%dma_start3A_577] : memref<3328xi32, #tpu.memory_space<vmem>> -> memref<128xi32, #tpu.memory_space<vmem>>
    %dma_start3A_579 = arith.constant 0 : i32
    %dma_start3A_580 = arith.constant 0 : i32
    %dma_start3A_581 = tpu.memref_slice %arg5[%dma_start3A_579, %dma_start3A_580] : memref<1000012x16xf32, #tpu.memory_space<hbm>> -> memref<1000012x16xf32, #tpu.memory_space<hbm>>
    tpu.enqueue_indirect_dma source(%dma_start3A_581 : memref<1000012x16xf32, #tpu.memory_space<hbm>>) target(%dma_start3A_576 : memref<128x16xf32, #tpu.memory_space<vmem>>) offsets(%dma_start3A_578 : memref<128xi32, #tpu.memory_space<vmem>>) semaphore(%arg11 : memref<!tpu.dma_semaphore, #tpu.memory_space<semaphore_mem>>)
    %dma_start3A_582 = arith.constant 2560 : i32
    %dma_start3A_583 = arith.constant 0 : i32
    %dma_start3A_584 = tpu.memref_slice %arg10[%dma_start3A_582, %dma_start3A_583] : memref<3328x16xf32, #tpu.memory_space<vmem>> -> memref<128x16xf32, #tpu.memory_space<vmem>>
    %dma_start3A_585 = arith.constant 2560 : i32
    %dma_start3A_586 = tpu.memref_slice %arg8[%dma_start3A_585] : memref<3328xi32, #tpu.memory_space<vmem>> -> memref<128xi32, #tpu.memory_space<vmem>>
    %dma_start3A_587 = arith.constant 0 : i32
    %dma_start3A_588 = arith.constant 0 : i32
    %dma_start3A_589 = tpu.memref_slice %arg5[%dma_start3A_587, %dma_start3A_588] : memref<1000012x16xf32, #tpu.memory_space<hbm>> -> memref<1000012x16xf32, #tpu.memory_space<hbm>>
    tpu.enqueue_indirect_dma source(%dma_start3A_589 : memref<1000012x16xf32, #tpu.memory_space<hbm>>) target(%dma_start3A_584 : memref<128x16xf32, #tpu.memory_space<vmem>>) offsets(%dma_start3A_586 : memref<128xi32, #tpu.memory_space<vmem>>) semaphore(%arg11 : memref<!tpu.dma_semaphore, #tpu.memory_space<semaphore_mem>>)
    %dma_start3A_590 = arith.constant 2688 : i32
    %dma_start3A_591 = arith.constant 0 : i32
    %dma_start3A_592 = tpu.memref_slice %arg10[%dma_start3A_590, %dma_start3A_591] : memref<3328x16xf32, #tpu.memory_space<vmem>> -> memref<128x16xf32, #tpu.memory_space<vmem>>
    %dma_start3A_593 = arith.constant 2688 : i32
    %dma_start3A_594 = tpu.memref_slice %arg8[%dma_start3A_593] : memref<3328xi32, #tpu.memory_space<vmem>> -> memref<128xi32, #tpu.memory_space<vmem>>
    %dma_start3A_595 = arith.constant 0 : i32
    %dma_start3A_596 = arith.constant 0 : i32
    %dma_start3A_597 = tpu.memref_slice %arg5[%dma_start3A_595, %dma_start3A_596] : memref<1000012x16xf32, #tpu.memory_space<hbm>> -> memref<1000012x16xf32, #tpu.memory_space<hbm>>
    tpu.enqueue_indirect_dma source(%dma_start3A_597 : memref<1000012x16xf32, #tpu.memory_space<hbm>>) target(%dma_start3A_592 : memref<128x16xf32, #tpu.memory_space<vmem>>) offsets(%dma_start3A_594 : memref<128xi32, #tpu.memory_space<vmem>>) semaphore(%arg11 : memref<!tpu.dma_semaphore, #tpu.memory_space<semaphore_mem>>)
    %dma_start3A_598 = arith.constant 2816 : i32
    %dma_start3A_599 = arith.constant 0 : i32
    %dma_start3A_600 = tpu.memref_slice %arg10[%dma_start3A_598, %dma_start3A_599] : memref<3328x16xf32, #tpu.memory_space<vmem>> -> memref<128x16xf32, #tpu.memory_space<vmem>>
    %dma_start3A_601 = arith.constant 2816 : i32
    %dma_start3A_602 = tpu.memref_slice %arg8[%dma_start3A_601] : memref<3328xi32, #tpu.memory_space<vmem>> -> memref<128xi32, #tpu.memory_space<vmem>>
    %dma_start3A_603 = arith.constant 0 : i32
    %dma_start3A_604 = arith.constant 0 : i32
    %dma_start3A_605 = tpu.memref_slice %arg5[%dma_start3A_603, %dma_start3A_604] : memref<1000012x16xf32, #tpu.memory_space<hbm>> -> memref<1000012x16xf32, #tpu.memory_space<hbm>>
    tpu.enqueue_indirect_dma source(%dma_start3A_605 : memref<1000012x16xf32, #tpu.memory_space<hbm>>) target(%dma_start3A_600 : memref<128x16xf32, #tpu.memory_space<vmem>>) offsets(%dma_start3A_602 : memref<128xi32, #tpu.memory_space<vmem>>) semaphore(%arg11 : memref<!tpu.dma_semaphore, #tpu.memory_space<semaphore_mem>>)
    %dma_start3A_606 = arith.constant 2944 : i32
    %dma_start3A_607 = arith.constant 0 : i32
    %dma_start3A_608 = tpu.memref_slice %arg10[%dma_start3A_606, %dma_start3A_607] : memref<3328x16xf32, #tpu.memory_space<vmem>> -> memref<128x16xf32, #tpu.memory_space<vmem>>
    %dma_start3A_609 = arith.constant 2944 : i32
    %dma_start3A_610 = tpu.memref_slice %arg8[%dma_start3A_609] : memref<3328xi32, #tpu.memory_space<vmem>> -> memref<128xi32, #tpu.memory_space<vmem>>
    %dma_start3A_611 = arith.constant 0 : i32
    %dma_start3A_612 = arith.constant 0 : i32
    %dma_start3A_613 = tpu.memref_slice %arg5[%dma_start3A_611, %dma_start3A_612] : memref<1000012x16xf32, #tpu.memory_space<hbm>> -> memref<1000012x16xf32, #tpu.memory_space<hbm>>
    tpu.enqueue_indirect_dma source(%dma_start3A_613 : memref<1000012x16xf32, #tpu.memory_space<hbm>>) target(%dma_start3A_608 : memref<128x16xf32, #tpu.memory_space<vmem>>) offsets(%dma_start3A_610 : memref<128xi32, #tpu.memory_space<vmem>>) semaphore(%arg11 : memref<!tpu.dma_semaphore, #tpu.memory_space<semaphore_mem>>)
    %dma_start3A_614 = arith.constant 3072 : i32
    %dma_start3A_615 = arith.constant 0 : i32
    %dma_start3A_616 = tpu.memref_slice %arg10[%dma_start3A_614, %dma_start3A_615] : memref<3328x16xf32, #tpu.memory_space<vmem>> -> memref<128x16xf32, #tpu.memory_space<vmem>>
    %dma_start3A_617 = arith.constant 3072 : i32
    %dma_start3A_618 = tpu.memref_slice %arg8[%dma_start3A_617] : memref<3328xi32, #tpu.memory_space<vmem>> -> memref<128xi32, #tpu.memory_space<vmem>>
    %dma_start3A_619 = arith.constant 0 : i32
    %dma_start3A_620 = arith.constant 0 : i32
    %dma_start3A_621 = tpu.memref_slice %arg5[%dma_start3A_619, %dma_start3A_620] : memref<1000012x16xf32, #tpu.memory_space<hbm>> -> memref<1000012x16xf32, #tpu.memory_space<hbm>>
    tpu.enqueue_indirect_dma source(%dma_start3A_621 : memref<1000012x16xf32, #tpu.memory_space<hbm>>) target(%dma_start3A_616 : memref<128x16xf32, #tpu.memory_space<vmem>>) offsets(%dma_start3A_618 : memref<128xi32, #tpu.memory_space<vmem>>) semaphore(%arg11 : memref<!tpu.dma_semaphore, #tpu.memory_space<semaphore_mem>>)
    %dma_start3A_622 = arith.constant 3200 : i32
    %dma_start3A_623 = arith.constant 0 : i32
    %dma_start3A_624 = tpu.memref_slice %arg10[%dma_start3A_622, %dma_start3A_623] : memref<3328x16xf32, #tpu.memory_space<vmem>> -> memref<128x16xf32, #tpu.memory_space<vmem>>
    %dma_start3A_625 = arith.constant 3200 : i32
    %dma_start3A_626 = tpu.memref_slice %arg8[%dma_start3A_625] : memref<3328xi32, #tpu.memory_space<vmem>> -> memref<128xi32, #tpu.memory_space<vmem>>
    %dma_start3A_627 = arith.constant 0 : i32
    %dma_start3A_628 = arith.constant 0 : i32
    %dma_start3A_629 = tpu.memref_slice %arg5[%dma_start3A_627, %dma_start3A_628] : memref<1000012x16xf32, #tpu.memory_space<hbm>> -> memref<1000012x16xf32, #tpu.memory_space<hbm>>
    tpu.enqueue_indirect_dma source(%dma_start3A_629 : memref<1000012x16xf32, #tpu.memory_space<hbm>>) target(%dma_start3A_624 : memref<128x16xf32, #tpu.memory_space<vmem>>) offsets(%dma_start3A_626 : memref<128xi32, #tpu.memory_space<vmem>>) semaphore(%arg11 : memref<!tpu.dma_semaphore, #tpu.memory_space<semaphore_mem>>)
    %dma_wait3A_630 = arith.constant 0 : i32
    %dma_wait3A_631 = arith.constant 0 : i32
    %dma_wait3A_632 = tpu.memref_slice %arg10[%dma_wait3A_630, %dma_wait3A_631] : memref<3328x16xf32, #tpu.memory_space<vmem>> -> memref<128x16xf32, #tpu.memory_space<vmem>>
    %dma_wait3A_633 = arith.constant 0 : i32
    %dma_wait3A_634 = tpu.memref_slice %arg8[%dma_wait3A_633] : memref<3328xi32, #tpu.memory_space<vmem>> -> memref<128xi32, #tpu.memory_space<vmem>>
    %dma_wait3A_635 = arith.constant 0 : i32
    %dma_wait3A_636 = arith.constant 0 : i32
    %dma_wait3A_637 = tpu.memref_slice %arg5[%dma_wait3A_635, %dma_wait3A_636] : memref<1000012x16xf32, #tpu.memory_space<hbm>> -> memref<1000012x16xf32, #tpu.memory_space<hbm>>
    tpu.wait_indirect_dma semaphore(%arg11 : memref<!tpu.dma_semaphore, #tpu.memory_space<semaphore_mem>>) src(%dma_wait3A_637 : memref<1000012x16xf32, #tpu.memory_space<hbm>>) dst(%dma_wait3A_632 : memref<128x16xf32, #tpu.memory_space<vmem>>)
    %dma_wait3A_638 = arith.constant 128 : i32
    %dma_wait3A_639 = arith.constant 0 : i32
    %dma_wait3A_640 = tpu.memref_slice %arg10[%dma_wait3A_638, %dma_wait3A_639] : memref<3328x16xf32, #tpu.memory_space<vmem>> -> memref<128x16xf32, #tpu.memory_space<vmem>>
    %dma_wait3A_641 = arith.constant 128 : i32
    %dma_wait3A_642 = tpu.memref_slice %arg8[%dma_wait3A_641] : memref<3328xi32, #tpu.memory_space<vmem>> -> memref<128xi32, #tpu.memory_space<vmem>>
    %dma_wait3A_643 = arith.constant 0 : i32
    %dma_wait3A_644 = arith.constant 0 : i32
    %dma_wait3A_645 = tpu.memref_slice %arg5[%dma_wait3A_643, %dma_wait3A_644] : memref<1000012x16xf32, #tpu.memory_space<hbm>> -> memref<1000012x16xf32, #tpu.memory_space<hbm>>
    tpu.wait_indirect_dma semaphore(%arg11 : memref<!tpu.dma_semaphore, #tpu.memory_space<semaphore_mem>>) src(%dma_wait3A_645 : memref<1000012x16xf32, #tpu.memory_space<hbm>>) dst(%dma_wait3A_640 : memref<128x16xf32, #tpu.memory_space<vmem>>)
    %dma_wait3A_646 = arith.constant 256 : i32
    %dma_wait3A_647 = arith.constant 0 : i32
    %dma_wait3A_648 = tpu.memref_slice %arg10[%dma_wait3A_646, %dma_wait3A_647] : memref<3328x16xf32, #tpu.memory_space<vmem>> -> memref<128x16xf32, #tpu.memory_space<vmem>>
    %dma_wait3A_649 = arith.constant 256 : i32
    %dma_wait3A_650 = tpu.memref_slice %arg8[%dma_wait3A_649] : memref<3328xi32, #tpu.memory_space<vmem>> -> memref<128xi32, #tpu.memory_space<vmem>>
    %dma_wait3A_651 = arith.constant 0 : i32
    %dma_wait3A_652 = arith.constant 0 : i32
    %dma_wait3A_653 = tpu.memref_slice %arg5[%dma_wait3A_651, %dma_wait3A_652] : memref<1000012x16xf32, #tpu.memory_space<hbm>> -> memref<1000012x16xf32, #tpu.memory_space<hbm>>
    tpu.wait_indirect_dma semaphore(%arg11 : memref<!tpu.dma_semaphore, #tpu.memory_space<semaphore_mem>>) src(%dma_wait3A_653 : memref<1000012x16xf32, #tpu.memory_space<hbm>>) dst(%dma_wait3A_648 : memref<128x16xf32, #tpu.memory_space<vmem>>)
    %dma_wait3A_654 = arith.constant 384 : i32
    %dma_wait3A_655 = arith.constant 0 : i32
    %dma_wait3A_656 = tpu.memref_slice %arg10[%dma_wait3A_654, %dma_wait3A_655] : memref<3328x16xf32, #tpu.memory_space<vmem>> -> memref<128x16xf32, #tpu.memory_space<vmem>>
    %dma_wait3A_657 = arith.constant 384 : i32
    %dma_wait3A_658 = tpu.memref_slice %arg8[%dma_wait3A_657] : memref<3328xi32, #tpu.memory_space<vmem>> -> memref<128xi32, #tpu.memory_space<vmem>>
    %dma_wait3A_659 = arith.constant 0 : i32
    %dma_wait3A_660 = arith.constant 0 : i32
    %dma_wait3A_661 = tpu.memref_slice %arg5[%dma_wait3A_659, %dma_wait3A_660] : memref<1000012x16xf32, #tpu.memory_space<hbm>> -> memref<1000012x16xf32, #tpu.memory_space<hbm>>
    tpu.wait_indirect_dma semaphore(%arg11 : memref<!tpu.dma_semaphore, #tpu.memory_space<semaphore_mem>>) src(%dma_wait3A_661 : memref<1000012x16xf32, #tpu.memory_space<hbm>>) dst(%dma_wait3A_656 : memref<128x16xf32, #tpu.memory_space<vmem>>)
    %dma_wait3A_662 = arith.constant 512 : i32
    %dma_wait3A_663 = arith.constant 0 : i32
    %dma_wait3A_664 = tpu.memref_slice %arg10[%dma_wait3A_662, %dma_wait3A_663] : memref<3328x16xf32, #tpu.memory_space<vmem>> -> memref<128x16xf32, #tpu.memory_space<vmem>>
    %dma_wait3A_665 = arith.constant 512 : i32
    %dma_wait3A_666 = tpu.memref_slice %arg8[%dma_wait3A_665] : memref<3328xi32, #tpu.memory_space<vmem>> -> memref<128xi32, #tpu.memory_space<vmem>>
    %dma_wait3A_667 = arith.constant 0 : i32
    %dma_wait3A_668 = arith.constant 0 : i32
    %dma_wait3A_669 = tpu.memref_slice %arg5[%dma_wait3A_667, %dma_wait3A_668] : memref<1000012x16xf32, #tpu.memory_space<hbm>> -> memref<1000012x16xf32, #tpu.memory_space<hbm>>
    tpu.wait_indirect_dma semaphore(%arg11 : memref<!tpu.dma_semaphore, #tpu.memory_space<semaphore_mem>>) src(%dma_wait3A_669 : memref<1000012x16xf32, #tpu.memory_space<hbm>>) dst(%dma_wait3A_664 : memref<128x16xf32, #tpu.memory_space<vmem>>)
    %dma_wait3A_670 = arith.constant 640 : i32
    %dma_wait3A_671 = arith.constant 0 : i32
    %dma_wait3A_672 = tpu.memref_slice %arg10[%dma_wait3A_670, %dma_wait3A_671] : memref<3328x16xf32, #tpu.memory_space<vmem>> -> memref<128x16xf32, #tpu.memory_space<vmem>>
    %dma_wait3A_673 = arith.constant 640 : i32
    %dma_wait3A_674 = tpu.memref_slice %arg8[%dma_wait3A_673] : memref<3328xi32, #tpu.memory_space<vmem>> -> memref<128xi32, #tpu.memory_space<vmem>>
    %dma_wait3A_675 = arith.constant 0 : i32
    %dma_wait3A_676 = arith.constant 0 : i32
    %dma_wait3A_677 = tpu.memref_slice %arg5[%dma_wait3A_675, %dma_wait3A_676] : memref<1000012x16xf32, #tpu.memory_space<hbm>> -> memref<1000012x16xf32, #tpu.memory_space<hbm>>
    tpu.wait_indirect_dma semaphore(%arg11 : memref<!tpu.dma_semaphore, #tpu.memory_space<semaphore_mem>>) src(%dma_wait3A_677 : memref<1000012x16xf32, #tpu.memory_space<hbm>>) dst(%dma_wait3A_672 : memref<128x16xf32, #tpu.memory_space<vmem>>)
    %dma_wait3A_678 = arith.constant 768 : i32
    %dma_wait3A_679 = arith.constant 0 : i32
    %dma_wait3A_680 = tpu.memref_slice %arg10[%dma_wait3A_678, %dma_wait3A_679] : memref<3328x16xf32, #tpu.memory_space<vmem>> -> memref<128x16xf32, #tpu.memory_space<vmem>>
    %dma_wait3A_681 = arith.constant 768 : i32
    %dma_wait3A_682 = tpu.memref_slice %arg8[%dma_wait3A_681] : memref<3328xi32, #tpu.memory_space<vmem>> -> memref<128xi32, #tpu.memory_space<vmem>>
    %dma_wait3A_683 = arith.constant 0 : i32
    %dma_wait3A_684 = arith.constant 0 : i32
    %dma_wait3A_685 = tpu.memref_slice %arg5[%dma_wait3A_683, %dma_wait3A_684] : memref<1000012x16xf32, #tpu.memory_space<hbm>> -> memref<1000012x16xf32, #tpu.memory_space<hbm>>
    tpu.wait_indirect_dma semaphore(%arg11 : memref<!tpu.dma_semaphore, #tpu.memory_space<semaphore_mem>>) src(%dma_wait3A_685 : memref<1000012x16xf32, #tpu.memory_space<hbm>>) dst(%dma_wait3A_680 : memref<128x16xf32, #tpu.memory_space<vmem>>)
    %dma_wait3A_686 = arith.constant 896 : i32
    %dma_wait3A_687 = arith.constant 0 : i32
    %dma_wait3A_688 = tpu.memref_slice %arg10[%dma_wait3A_686, %dma_wait3A_687] : memref<3328x16xf32, #tpu.memory_space<vmem>> -> memref<128x16xf32, #tpu.memory_space<vmem>>
    %dma_wait3A_689 = arith.constant 896 : i32
    %dma_wait3A_690 = tpu.memref_slice %arg8[%dma_wait3A_689] : memref<3328xi32, #tpu.memory_space<vmem>> -> memref<128xi32, #tpu.memory_space<vmem>>
    %dma_wait3A_691 = arith.constant 0 : i32
    %dma_wait3A_692 = arith.constant 0 : i32
    %dma_wait3A_693 = tpu.memref_slice %arg5[%dma_wait3A_691, %dma_wait3A_692] : memref<1000012x16xf32, #tpu.memory_space<hbm>> -> memref<1000012x16xf32, #tpu.memory_space<hbm>>
    tpu.wait_indirect_dma semaphore(%arg11 : memref<!tpu.dma_semaphore, #tpu.memory_space<semaphore_mem>>) src(%dma_wait3A_693 : memref<1000012x16xf32, #tpu.memory_space<hbm>>) dst(%dma_wait3A_688 : memref<128x16xf32, #tpu.memory_space<vmem>>)
    %dma_wait3A_694 = arith.constant 1024 : i32
    %dma_wait3A_695 = arith.constant 0 : i32
    %dma_wait3A_696 = tpu.memref_slice %arg10[%dma_wait3A_694, %dma_wait3A_695] : memref<3328x16xf32, #tpu.memory_space<vmem>> -> memref<128x16xf32, #tpu.memory_space<vmem>>
    %dma_wait3A_697 = arith.constant 1024 : i32
    %dma_wait3A_698 = tpu.memref_slice %arg8[%dma_wait3A_697] : memref<3328xi32, #tpu.memory_space<vmem>> -> memref<128xi32, #tpu.memory_space<vmem>>
    %dma_wait3A_699 = arith.constant 0 : i32
    %dma_wait3A_700 = arith.constant 0 : i32
    %dma_wait3A_701 = tpu.memref_slice %arg5[%dma_wait3A_699, %dma_wait3A_700] : memref<1000012x16xf32, #tpu.memory_space<hbm>> -> memref<1000012x16xf32, #tpu.memory_space<hbm>>
    tpu.wait_indirect_dma semaphore(%arg11 : memref<!tpu.dma_semaphore, #tpu.memory_space<semaphore_mem>>) src(%dma_wait3A_701 : memref<1000012x16xf32, #tpu.memory_space<hbm>>) dst(%dma_wait3A_696 : memref<128x16xf32, #tpu.memory_space<vmem>>)
    %dma_wait3A_702 = arith.constant 1152 : i32
    %dma_wait3A_703 = arith.constant 0 : i32
    %dma_wait3A_704 = tpu.memref_slice %arg10[%dma_wait3A_702, %dma_wait3A_703] : memref<3328x16xf32, #tpu.memory_space<vmem>> -> memref<128x16xf32, #tpu.memory_space<vmem>>
    %dma_wait3A_705 = arith.constant 1152 : i32
    %dma_wait3A_706 = tpu.memref_slice %arg8[%dma_wait3A_705] : memref<3328xi32, #tpu.memory_space<vmem>> -> memref<128xi32, #tpu.memory_space<vmem>>
    %dma_wait3A_707 = arith.constant 0 : i32
    %dma_wait3A_708 = arith.constant 0 : i32
    %dma_wait3A_709 = tpu.memref_slice %arg5[%dma_wait3A_707, %dma_wait3A_708] : memref<1000012x16xf32, #tpu.memory_space<hbm>> -> memref<1000012x16xf32, #tpu.memory_space<hbm>>
    tpu.wait_indirect_dma semaphore(%arg11 : memref<!tpu.dma_semaphore, #tpu.memory_space<semaphore_mem>>) src(%dma_wait3A_709 : memref<1000012x16xf32, #tpu.memory_space<hbm>>) dst(%dma_wait3A_704 : memref<128x16xf32, #tpu.memory_space<vmem>>)
    %dma_wait3A_710 = arith.constant 1280 : i32
    %dma_wait3A_711 = arith.constant 0 : i32
    %dma_wait3A_712 = tpu.memref_slice %arg10[%dma_wait3A_710, %dma_wait3A_711] : memref<3328x16xf32, #tpu.memory_space<vmem>> -> memref<128x16xf32, #tpu.memory_space<vmem>>
    %dma_wait3A_713 = arith.constant 1280 : i32
    %dma_wait3A_714 = tpu.memref_slice %arg8[%dma_wait3A_713] : memref<3328xi32, #tpu.memory_space<vmem>> -> memref<128xi32, #tpu.memory_space<vmem>>
    %dma_wait3A_715 = arith.constant 0 : i32
    %dma_wait3A_716 = arith.constant 0 : i32
    %dma_wait3A_717 = tpu.memref_slice %arg5[%dma_wait3A_715, %dma_wait3A_716] : memref<1000012x16xf32, #tpu.memory_space<hbm>> -> memref<1000012x16xf32, #tpu.memory_space<hbm>>
    tpu.wait_indirect_dma semaphore(%arg11 : memref<!tpu.dma_semaphore, #tpu.memory_space<semaphore_mem>>) src(%dma_wait3A_717 : memref<1000012x16xf32, #tpu.memory_space<hbm>>) dst(%dma_wait3A_712 : memref<128x16xf32, #tpu.memory_space<vmem>>)
    %dma_wait3A_718 = arith.constant 1408 : i32
    %dma_wait3A_719 = arith.constant 0 : i32
    %dma_wait3A_720 = tpu.memref_slice %arg10[%dma_wait3A_718, %dma_wait3A_719] : memref<3328x16xf32, #tpu.memory_space<vmem>> -> memref<128x16xf32, #tpu.memory_space<vmem>>
    %dma_wait3A_721 = arith.constant 1408 : i32
    %dma_wait3A_722 = tpu.memref_slice %arg8[%dma_wait3A_721] : memref<3328xi32, #tpu.memory_space<vmem>> -> memref<128xi32, #tpu.memory_space<vmem>>
    %dma_wait3A_723 = arith.constant 0 : i32
    %dma_wait3A_724 = arith.constant 0 : i32
    %dma_wait3A_725 = tpu.memref_slice %arg5[%dma_wait3A_723, %dma_wait3A_724] : memref<1000012x16xf32, #tpu.memory_space<hbm>> -> memref<1000012x16xf32, #tpu.memory_space<hbm>>
    tpu.wait_indirect_dma semaphore(%arg11 : memref<!tpu.dma_semaphore, #tpu.memory_space<semaphore_mem>>) src(%dma_wait3A_725 : memref<1000012x16xf32, #tpu.memory_space<hbm>>) dst(%dma_wait3A_720 : memref<128x16xf32, #tpu.memory_space<vmem>>)
    %dma_wait3A_726 = arith.constant 1536 : i32
    %dma_wait3A_727 = arith.constant 0 : i32
    %dma_wait3A_728 = tpu.memref_slice %arg10[%dma_wait3A_726, %dma_wait3A_727] : memref<3328x16xf32, #tpu.memory_space<vmem>> -> memref<128x16xf32, #tpu.memory_space<vmem>>
    %dma_wait3A_729 = arith.constant 1536 : i32
    %dma_wait3A_730 = tpu.memref_slice %arg8[%dma_wait3A_729] : memref<3328xi32, #tpu.memory_space<vmem>> -> memref<128xi32, #tpu.memory_space<vmem>>
    %dma_wait3A_731 = arith.constant 0 : i32
    %dma_wait3A_732 = arith.constant 0 : i32
    %dma_wait3A_733 = tpu.memref_slice %arg5[%dma_wait3A_731, %dma_wait3A_732] : memref<1000012x16xf32, #tpu.memory_space<hbm>> -> memref<1000012x16xf32, #tpu.memory_space<hbm>>
    tpu.wait_indirect_dma semaphore(%arg11 : memref<!tpu.dma_semaphore, #tpu.memory_space<semaphore_mem>>) src(%dma_wait3A_733 : memref<1000012x16xf32, #tpu.memory_space<hbm>>) dst(%dma_wait3A_728 : memref<128x16xf32, #tpu.memory_space<vmem>>)
    %dma_wait3A_734 = arith.constant 1664 : i32
    %dma_wait3A_735 = arith.constant 0 : i32
    %dma_wait3A_736 = tpu.memref_slice %arg10[%dma_wait3A_734, %dma_wait3A_735] : memref<3328x16xf32, #tpu.memory_space<vmem>> -> memref<128x16xf32, #tpu.memory_space<vmem>>
    %dma_wait3A_737 = arith.constant 1664 : i32
    %dma_wait3A_738 = tpu.memref_slice %arg8[%dma_wait3A_737] : memref<3328xi32, #tpu.memory_space<vmem>> -> memref<128xi32, #tpu.memory_space<vmem>>
    %dma_wait3A_739 = arith.constant 0 : i32
    %dma_wait3A_740 = arith.constant 0 : i32
    %dma_wait3A_741 = tpu.memref_slice %arg5[%dma_wait3A_739, %dma_wait3A_740] : memref<1000012x16xf32, #tpu.memory_space<hbm>> -> memref<1000012x16xf32, #tpu.memory_space<hbm>>
    tpu.wait_indirect_dma semaphore(%arg11 : memref<!tpu.dma_semaphore, #tpu.memory_space<semaphore_mem>>) src(%dma_wait3A_741 : memref<1000012x16xf32, #tpu.memory_space<hbm>>) dst(%dma_wait3A_736 : memref<128x16xf32, #tpu.memory_space<vmem>>)
    %dma_wait3A_742 = arith.constant 1792 : i32
    %dma_wait3A_743 = arith.constant 0 : i32
    %dma_wait3A_744 = tpu.memref_slice %arg10[%dma_wait3A_742, %dma_wait3A_743] : memref<3328x16xf32, #tpu.memory_space<vmem>> -> memref<128x16xf32, #tpu.memory_space<vmem>>
    %dma_wait3A_745 = arith.constant 1792 : i32
    %dma_wait3A_746 = tpu.memref_slice %arg8[%dma_wait3A_745] : memref<3328xi32, #tpu.memory_space<vmem>> -> memref<128xi32, #tpu.memory_space<vmem>>
    %dma_wait3A_747 = arith.constant 0 : i32
    %dma_wait3A_748 = arith.constant 0 : i32
    %dma_wait3A_749 = tpu.memref_slice %arg5[%dma_wait3A_747, %dma_wait3A_748] : memref<1000012x16xf32, #tpu.memory_space<hbm>> -> memref<1000012x16xf32, #tpu.memory_space<hbm>>
    tpu.wait_indirect_dma semaphore(%arg11 : memref<!tpu.dma_semaphore, #tpu.memory_space<semaphore_mem>>) src(%dma_wait3A_749 : memref<1000012x16xf32, #tpu.memory_space<hbm>>) dst(%dma_wait3A_744 : memref<128x16xf32, #tpu.memory_space<vmem>>)
    %dma_wait3A_750 = arith.constant 1920 : i32
    %dma_wait3A_751 = arith.constant 0 : i32
    %dma_wait3A_752 = tpu.memref_slice %arg10[%dma_wait3A_750, %dma_wait3A_751] : memref<3328x16xf32, #tpu.memory_space<vmem>> -> memref<128x16xf32, #tpu.memory_space<vmem>>
    %dma_wait3A_753 = arith.constant 1920 : i32
    %dma_wait3A_754 = tpu.memref_slice %arg8[%dma_wait3A_753] : memref<3328xi32, #tpu.memory_space<vmem>> -> memref<128xi32, #tpu.memory_space<vmem>>
    %dma_wait3A_755 = arith.constant 0 : i32
    %dma_wait3A_756 = arith.constant 0 : i32
    %dma_wait3A_757 = tpu.memref_slice %arg5[%dma_wait3A_755, %dma_wait3A_756] : memref<1000012x16xf32, #tpu.memory_space<hbm>> -> memref<1000012x16xf32, #tpu.memory_space<hbm>>
    tpu.wait_indirect_dma semaphore(%arg11 : memref<!tpu.dma_semaphore, #tpu.memory_space<semaphore_mem>>) src(%dma_wait3A_757 : memref<1000012x16xf32, #tpu.memory_space<hbm>>) dst(%dma_wait3A_752 : memref<128x16xf32, #tpu.memory_space<vmem>>)
    %dma_wait3A_758 = arith.constant 2048 : i32
    %dma_wait3A_759 = arith.constant 0 : i32
    %dma_wait3A_760 = tpu.memref_slice %arg10[%dma_wait3A_758, %dma_wait3A_759] : memref<3328x16xf32, #tpu.memory_space<vmem>> -> memref<128x16xf32, #tpu.memory_space<vmem>>
    %dma_wait3A_761 = arith.constant 2048 : i32
    %dma_wait3A_762 = tpu.memref_slice %arg8[%dma_wait3A_761] : memref<3328xi32, #tpu.memory_space<vmem>> -> memref<128xi32, #tpu.memory_space<vmem>>
    %dma_wait3A_763 = arith.constant 0 : i32
    %dma_wait3A_764 = arith.constant 0 : i32
    %dma_wait3A_765 = tpu.memref_slice %arg5[%dma_wait3A_763, %dma_wait3A_764] : memref<1000012x16xf32, #tpu.memory_space<hbm>> -> memref<1000012x16xf32, #tpu.memory_space<hbm>>
    tpu.wait_indirect_dma semaphore(%arg11 : memref<!tpu.dma_semaphore, #tpu.memory_space<semaphore_mem>>) src(%dma_wait3A_765 : memref<1000012x16xf32, #tpu.memory_space<hbm>>) dst(%dma_wait3A_760 : memref<128x16xf32, #tpu.memory_space<vmem>>)
    %dma_wait3A_766 = arith.constant 2176 : i32
    %dma_wait3A_767 = arith.constant 0 : i32
    %dma_wait3A_768 = tpu.memref_slice %arg10[%dma_wait3A_766, %dma_wait3A_767] : memref<3328x16xf32, #tpu.memory_space<vmem>> -> memref<128x16xf32, #tpu.memory_space<vmem>>
    %dma_wait3A_769 = arith.constant 2176 : i32
    %dma_wait3A_770 = tpu.memref_slice %arg8[%dma_wait3A_769] : memref<3328xi32, #tpu.memory_space<vmem>> -> memref<128xi32, #tpu.memory_space<vmem>>
    %dma_wait3A_771 = arith.constant 0 : i32
    %dma_wait3A_772 = arith.constant 0 : i32
    %dma_wait3A_773 = tpu.memref_slice %arg5[%dma_wait3A_771, %dma_wait3A_772] : memref<1000012x16xf32, #tpu.memory_space<hbm>> -> memref<1000012x16xf32, #tpu.memory_space<hbm>>
    tpu.wait_indirect_dma semaphore(%arg11 : memref<!tpu.dma_semaphore, #tpu.memory_space<semaphore_mem>>) src(%dma_wait3A_773 : memref<1000012x16xf32, #tpu.memory_space<hbm>>) dst(%dma_wait3A_768 : memref<128x16xf32, #tpu.memory_space<vmem>>)
    %dma_wait3A_774 = arith.constant 2304 : i32
    %dma_wait3A_775 = arith.constant 0 : i32
    %dma_wait3A_776 = tpu.memref_slice %arg10[%dma_wait3A_774, %dma_wait3A_775] : memref<3328x16xf32, #tpu.memory_space<vmem>> -> memref<128x16xf32, #tpu.memory_space<vmem>>
    %dma_wait3A_777 = arith.constant 2304 : i32
    %dma_wait3A_778 = tpu.memref_slice %arg8[%dma_wait3A_777] : memref<3328xi32, #tpu.memory_space<vmem>> -> memref<128xi32, #tpu.memory_space<vmem>>
    %dma_wait3A_779 = arith.constant 0 : i32
    %dma_wait3A_780 = arith.constant 0 : i32
    %dma_wait3A_781 = tpu.memref_slice %arg5[%dma_wait3A_779, %dma_wait3A_780] : memref<1000012x16xf32, #tpu.memory_space<hbm>> -> memref<1000012x16xf32, #tpu.memory_space<hbm>>
    tpu.wait_indirect_dma semaphore(%arg11 : memref<!tpu.dma_semaphore, #tpu.memory_space<semaphore_mem>>) src(%dma_wait3A_781 : memref<1000012x16xf32, #tpu.memory_space<hbm>>) dst(%dma_wait3A_776 : memref<128x16xf32, #tpu.memory_space<vmem>>)
    %dma_wait3A_782 = arith.constant 2432 : i32
    %dma_wait3A_783 = arith.constant 0 : i32
    %dma_wait3A_784 = tpu.memref_slice %arg10[%dma_wait3A_782, %dma_wait3A_783] : memref<3328x16xf32, #tpu.memory_space<vmem>> -> memref<128x16xf32, #tpu.memory_space<vmem>>
    %dma_wait3A_785 = arith.constant 2432 : i32
    %dma_wait3A_786 = tpu.memref_slice %arg8[%dma_wait3A_785] : memref<3328xi32, #tpu.memory_space<vmem>> -> memref<128xi32, #tpu.memory_space<vmem>>
    %dma_wait3A_787 = arith.constant 0 : i32
    %dma_wait3A_788 = arith.constant 0 : i32
    %dma_wait3A_789 = tpu.memref_slice %arg5[%dma_wait3A_787, %dma_wait3A_788] : memref<1000012x16xf32, #tpu.memory_space<hbm>> -> memref<1000012x16xf32, #tpu.memory_space<hbm>>
    tpu.wait_indirect_dma semaphore(%arg11 : memref<!tpu.dma_semaphore, #tpu.memory_space<semaphore_mem>>) src(%dma_wait3A_789 : memref<1000012x16xf32, #tpu.memory_space<hbm>>) dst(%dma_wait3A_784 : memref<128x16xf32, #tpu.memory_space<vmem>>)
    %dma_wait3A_790 = arith.constant 2560 : i32
    %dma_wait3A_791 = arith.constant 0 : i32
    %dma_wait3A_792 = tpu.memref_slice %arg10[%dma_wait3A_790, %dma_wait3A_791] : memref<3328x16xf32, #tpu.memory_space<vmem>> -> memref<128x16xf32, #tpu.memory_space<vmem>>
    %dma_wait3A_793 = arith.constant 2560 : i32
    %dma_wait3A_794 = tpu.memref_slice %arg8[%dma_wait3A_793] : memref<3328xi32, #tpu.memory_space<vmem>> -> memref<128xi32, #tpu.memory_space<vmem>>
    %dma_wait3A_795 = arith.constant 0 : i32
    %dma_wait3A_796 = arith.constant 0 : i32
    %dma_wait3A_797 = tpu.memref_slice %arg5[%dma_wait3A_795, %dma_wait3A_796] : memref<1000012x16xf32, #tpu.memory_space<hbm>> -> memref<1000012x16xf32, #tpu.memory_space<hbm>>
    tpu.wait_indirect_dma semaphore(%arg11 : memref<!tpu.dma_semaphore, #tpu.memory_space<semaphore_mem>>) src(%dma_wait3A_797 : memref<1000012x16xf32, #tpu.memory_space<hbm>>) dst(%dma_wait3A_792 : memref<128x16xf32, #tpu.memory_space<vmem>>)
    %dma_wait3A_798 = arith.constant 2688 : i32
    %dma_wait3A_799 = arith.constant 0 : i32
    %dma_wait3A_800 = tpu.memref_slice %arg10[%dma_wait3A_798, %dma_wait3A_799] : memref<3328x16xf32, #tpu.memory_space<vmem>> -> memref<128x16xf32, #tpu.memory_space<vmem>>
    %dma_wait3A_801 = arith.constant 2688 : i32
    %dma_wait3A_802 = tpu.memref_slice %arg8[%dma_wait3A_801] : memref<3328xi32, #tpu.memory_space<vmem>> -> memref<128xi32, #tpu.memory_space<vmem>>
    %dma_wait3A_803 = arith.constant 0 : i32
    %dma_wait3A_804 = arith.constant 0 : i32
    %dma_wait3A_805 = tpu.memref_slice %arg5[%dma_wait3A_803, %dma_wait3A_804] : memref<1000012x16xf32, #tpu.memory_space<hbm>> -> memref<1000012x16xf32, #tpu.memory_space<hbm>>
    tpu.wait_indirect_dma semaphore(%arg11 : memref<!tpu.dma_semaphore, #tpu.memory_space<semaphore_mem>>) src(%dma_wait3A_805 : memref<1000012x16xf32, #tpu.memory_space<hbm>>) dst(%dma_wait3A_800 : memref<128x16xf32, #tpu.memory_space<vmem>>)
    %dma_wait3A_806 = arith.constant 2816 : i32
    %dma_wait3A_807 = arith.constant 0 : i32
    %dma_wait3A_808 = tpu.memref_slice %arg10[%dma_wait3A_806, %dma_wait3A_807] : memref<3328x16xf32, #tpu.memory_space<vmem>> -> memref<128x16xf32, #tpu.memory_space<vmem>>
    %dma_wait3A_809 = arith.constant 2816 : i32
    %dma_wait3A_810 = tpu.memref_slice %arg8[%dma_wait3A_809] : memref<3328xi32, #tpu.memory_space<vmem>> -> memref<128xi32, #tpu.memory_space<vmem>>
    %dma_wait3A_811 = arith.constant 0 : i32
    %dma_wait3A_812 = arith.constant 0 : i32
    %dma_wait3A_813 = tpu.memref_slice %arg5[%dma_wait3A_811, %dma_wait3A_812] : memref<1000012x16xf32, #tpu.memory_space<hbm>> -> memref<1000012x16xf32, #tpu.memory_space<hbm>>
    tpu.wait_indirect_dma semaphore(%arg11 : memref<!tpu.dma_semaphore, #tpu.memory_space<semaphore_mem>>) src(%dma_wait3A_813 : memref<1000012x16xf32, #tpu.memory_space<hbm>>) dst(%dma_wait3A_808 : memref<128x16xf32, #tpu.memory_space<vmem>>)
    %dma_wait3A_814 = arith.constant 2944 : i32
    %dma_wait3A_815 = arith.constant 0 : i32
    %dma_wait3A_816 = tpu.memref_slice %arg10[%dma_wait3A_814, %dma_wait3A_815] : memref<3328x16xf32, #tpu.memory_space<vmem>> -> memref<128x16xf32, #tpu.memory_space<vmem>>
    %dma_wait3A_817 = arith.constant 2944 : i32
    %dma_wait3A_818 = tpu.memref_slice %arg8[%dma_wait3A_817] : memref<3328xi32, #tpu.memory_space<vmem>> -> memref<128xi32, #tpu.memory_space<vmem>>
    %dma_wait3A_819 = arith.constant 0 : i32
    %dma_wait3A_820 = arith.constant 0 : i32
    %dma_wait3A_821 = tpu.memref_slice %arg5[%dma_wait3A_819, %dma_wait3A_820] : memref<1000012x16xf32, #tpu.memory_space<hbm>> -> memref<1000012x16xf32, #tpu.memory_space<hbm>>
    tpu.wait_indirect_dma semaphore(%arg11 : memref<!tpu.dma_semaphore, #tpu.memory_space<semaphore_mem>>) src(%dma_wait3A_821 : memref<1000012x16xf32, #tpu.memory_space<hbm>>) dst(%dma_wait3A_816 : memref<128x16xf32, #tpu.memory_space<vmem>>)
    %dma_wait3A_822 = arith.constant 3072 : i32
    %dma_wait3A_823 = arith.constant 0 : i32
    %dma_wait3A_824 = tpu.memref_slice %arg10[%dma_wait3A_822, %dma_wait3A_823] : memref<3328x16xf32, #tpu.memory_space<vmem>> -> memref<128x16xf32, #tpu.memory_space<vmem>>
    %dma_wait3A_825 = arith.constant 3072 : i32
    %dma_wait3A_826 = tpu.memref_slice %arg8[%dma_wait3A_825] : memref<3328xi32, #tpu.memory_space<vmem>> -> memref<128xi32, #tpu.memory_space<vmem>>
    %dma_wait3A_827 = arith.constant 0 : i32
    %dma_wait3A_828 = arith.constant 0 : i32
    %dma_wait3A_829 = tpu.memref_slice %arg5[%dma_wait3A_827, %dma_wait3A_828] : memref<1000012x16xf32, #tpu.memory_space<hbm>> -> memref<1000012x16xf32, #tpu.memory_space<hbm>>
    tpu.wait_indirect_dma semaphore(%arg11 : memref<!tpu.dma_semaphore, #tpu.memory_space<semaphore_mem>>) src(%dma_wait3A_829 : memref<1000012x16xf32, #tpu.memory_space<hbm>>) dst(%dma_wait3A_824 : memref<128x16xf32, #tpu.memory_space<vmem>>)
    %dma_wait3A_830 = arith.constant 3200 : i32
    %dma_wait3A_831 = arith.constant 0 : i32
    %dma_wait3A_832 = tpu.memref_slice %arg10[%dma_wait3A_830, %dma_wait3A_831] : memref<3328x16xf32, #tpu.memory_space<vmem>> -> memref<128x16xf32, #tpu.memory_space<vmem>>
    %dma_wait3A_833 = arith.constant 3200 : i32
    %dma_wait3A_834 = tpu.memref_slice %arg8[%dma_wait3A_833] : memref<3328xi32, #tpu.memory_space<vmem>> -> memref<128xi32, #tpu.memory_space<vmem>>
    %dma_wait3A_835 = arith.constant 0 : i32
    %dma_wait3A_836 = arith.constant 0 : i32
    %dma_wait3A_837 = tpu.memref_slice %arg5[%dma_wait3A_835, %dma_wait3A_836] : memref<1000012x16xf32, #tpu.memory_space<hbm>> -> memref<1000012x16xf32, #tpu.memory_space<hbm>>
    tpu.wait_indirect_dma semaphore(%arg11 : memref<!tpu.dma_semaphore, #tpu.memory_space<semaphore_mem>>) src(%dma_wait3A_837 : memref<1000012x16xf32, #tpu.memory_space<hbm>>) dst(%dma_wait3A_832 : memref<128x16xf32, #tpu.memory_space<vmem>>)
    "tpu.region"() ({
      %run_scoped3A = tpu.sem_alloc : memref<!tpu.dma_semaphore, #tpu.memory_space<semaphore_mem>>
      %dma_start3A_838 = arith.constant 0 : i32
      %dma_start3A_839 = tpu.memref_slice %arg7[%mul3A_2, %dma_start3A_838] : memref<106496x16xf32, #tpu.memory_space<hbm>> -> memref<3328x16xf32, #tpu.memory_space<hbm>>
      %dma_start3A_840 = arith.constant 0 : i32
      %dma_start3A_841 = tpu.memref_slice %arg7[%mul3A_2, %dma_start3A_840] : memref<106496x16xf32, #tpu.memory_space<hbm>> -> memref<3328x16xf32, #tpu.memory_space<hbm>>
      tpu.enqueue_dma source(%arg10 : memref<3328x16xf32, #tpu.memory_space<vmem>>) target(%dma_start3A_841 : memref<3328x16xf32, #tpu.memory_space<hbm>>) target_semaphore(%run_scoped3A : memref<!tpu.dma_semaphore, #tpu.memory_space<semaphore_mem>>)
      %dma_wait3A_842 = arith.constant 0 : i32
      %dma_wait3A_843 = tpu.memref_slice %arg7[%mul3A_2, %dma_wait3A_842] : memref<106496x16xf32, #tpu.memory_space<hbm>> -> memref<3328x16xf32, #tpu.memory_space<hbm>>
      %dma_wait3A_844 = arith.constant 0 : i32
      %dma_wait3A_845 = tpu.memref_slice %arg7[%mul3A_2, %dma_wait3A_844] : memref<106496x16xf32, #tpu.memory_space<hbm>> -> memref<3328x16xf32, #tpu.memory_space<hbm>>
      tpu.wait_dma2 semaphore(%run_scoped3A : memref<!tpu.dma_semaphore, #tpu.memory_space<semaphore_mem>>) src(%arg10 : memref<3328x16xf32, #tpu.memory_space<vmem>>) dst(%dma_wait3A_845 : memref<3328x16xf32, #tpu.memory_space<hbm>>)
      tpu.yield
    }) : () -> ()
    return
  }
}

module attributes {stable_mosaic.version = 14 : i64} {
  func.func @_dense_body(%arg0: i32, %arg1: memref<512x416xf32, #tpu.memory_space<vmem>>, %arg2: memref<512x416xf32, #tpu.memory_space<vmem>>, %arg3: memref<512x416xf32, #tpu.memory_space<vmem>>, %arg4: memref<416x416xf32, #tpu.memory_space<vmem>>, %arg5: memref<1x416xf32, #tpu.memory_space<vmem>>, %arg6: memref<416x416xf32, #tpu.memory_space<vmem>>, %arg7: memref<1x416xf32, #tpu.memory_space<vmem>>, %arg8: memref<512x416xf32, #tpu.memory_space<vmem>>, %arg9: memref<512x416xf32, #tpu.memory_space<vmem>>) attributes {dimension_semantics = [#tpu.dimension_semantics<arbitrary>], iteration_bounds = array<i64: 8>, scalar_prefetch = 0 : i64, scratch_operands = 0 : i64, tpu.core_type = #tpu.core_type<tc>, window_params = [{transform_indices = @transform_0, window_bounds = array<i64: 512, 416>}, {transform_indices = @transform_1, window_bounds = array<i64: 512, 416>}, {transform_indices = @transform_2, window_bounds = array<i64: 512, 416>}, {pipeline_mode = #tpu.pipeline_mode<synchronous>, transform_indices = @transform_3, window_bounds = array<i64: 416, 416>}, {pipeline_mode = #tpu.pipeline_mode<synchronous>, transform_indices = @transform_4, window_bounds = array<i64: 1, 416>}, {pipeline_mode = #tpu.pipeline_mode<synchronous>, transform_indices = @transform_5, window_bounds = array<i64: 416, 416>}, {pipeline_mode = #tpu.pipeline_mode<synchronous>, transform_indices = @transform_6, window_bounds = array<i64: 1, 416>}, {transform_indices = @transform_7, window_bounds = array<i64: 512, 416>}, {transform_indices = @transform_8, window_bounds = array<i64: 512, 416>}]} {
    %get3A = arith.constant 0 : index
    %get3A_0 = arith.constant 0 : index
    %get3A_1 = vector.load %arg3[%get3A, %get3A_0] : memref<512x416xf32, #tpu.memory_space<vmem>>, vector<512x416xf32>
    %get3A_2 = arith.constant 0 : index
    %get3A_3 = arith.constant 0 : index
    %get3A_4 = vector.load %arg1[%get3A_2, %get3A_3] : memref<512x416xf32, #tpu.memory_space<vmem>>, vector<512x416xf32>
    %get3A_5 = arith.constant 0 : index
    %get3A_6 = arith.constant 0 : index
    %get3A_7 = vector.load %arg4[%get3A_5, %get3A_6] : memref<416x416xf32, #tpu.memory_space<vmem>>, vector<416x416xf32>
    %dot_general3A = arith.constant dense<0.000000e+00> : vector<512x416xf32>
    %dot_general3A_8 = tpu.matmul %get3A_4, %get3A_7, %dot_general3A {dimension_numbers = #tpu.dot_dimension_numbers<[1], [0], [0], [1], [0, 0, 1, 1], [], []>, transpose_lhs_hint = false} : vector<512x416xf32>, vector<416x416xf32>, vector<512x416xf32> -> vector<512x416xf32>
    %get3A_9 = arith.constant 0 : index
    %get3A_10 = arith.constant 0 : index
    %get3A_11 = vector.load %arg5[%get3A_9, %get3A_10] : memref<1x416xf32, #tpu.memory_space<vmem>>, vector<1x416xf32>
    %add3A = vector.broadcast %get3A_11 : vector<1x416xf32> to vector<512x416xf32>
    %add3A_12 = arith.addf %dot_general3A_8, %add3A : vector<512x416xf32>
    %logistic3A = arith.negf %add3A_12 : vector<512x416xf32>
    %logistic3A_13 = math.exp %logistic3A : vector<512x416xf32>
    %logistic3A_14 = arith.constant 1.000000e+00 : f32
    %logistic3A_15 = vector.broadcast %logistic3A_14 : f32 to vector<512x416xf32>
    %logistic3A_16 = arith.addf %logistic3A_15, %logistic3A_13 : vector<512x416xf32>
    %logistic3A_17 = arith.divf %logistic3A_15, %logistic3A_16 : vector<512x416xf32>
    %mul3A = arith.constant 2.000000e+00 : f32
    %mul3A_18 = vector.broadcast %mul3A : f32 to vector<512x416xf32>
    %mul3A_19 = arith.mulf %mul3A_18, %logistic3A_17 : vector<512x416xf32>
    %mul3A_20 = arith.mulf %get3A_1, %mul3A_19 : vector<512x416xf32>
    %swap3A = arith.constant 0 : index
    %swap3A_21 = arith.constant 0 : index
    %swap3A_22 = vector.load %arg8[%swap3A, %swap3A_21] : memref<512x416xf32, #tpu.memory_space<vmem>>, vector<512x416xf32>
    tpu.vector_store %arg8[%swap3A, %swap3A_21], %mul3A_20 {strides = array<i32>} : memref<512x416xf32, #tpu.memory_space<vmem>>, vector<512x416xf32>,
    %get3A_23 = arith.constant 0 : index
    %get3A_24 = arith.constant 0 : index
    %get3A_25 = vector.load %arg2[%get3A_23, %get3A_24] : memref<512x416xf32, #tpu.memory_space<vmem>>, vector<512x416xf32>
    %get3A_26 = arith.constant 0 : index
    %get3A_27 = arith.constant 0 : index
    %get3A_28 = vector.load %arg6[%get3A_26, %get3A_27] : memref<416x416xf32, #tpu.memory_space<vmem>>, vector<416x416xf32>
    %dot_general3A_29 = arith.constant dense<0.000000e+00> : vector<512x416xf32>
    %dot_general3A_30 = tpu.matmul %get3A_25, %get3A_28, %dot_general3A_29 {dimension_numbers = #tpu.dot_dimension_numbers<[1], [0], [0], [1], [0, 0, 1, 1], [], []>, transpose_lhs_hint = false} : vector<512x416xf32>, vector<416x416xf32>, vector<512x416xf32> -> vector<512x416xf32>
    %get3A_31 = arith.constant 0 : index
    %get3A_32 = arith.constant 0 : index
    %get3A_33 = vector.load %arg7[%get3A_31, %get3A_32] : memref<1x416xf32, #tpu.memory_space<vmem>>, vector<1x416xf32>
    %add3A_34 = vector.broadcast %get3A_33 : vector<1x416xf32> to vector<512x416xf32>
    %add3A_35 = arith.addf %dot_general3A_30, %add3A_34 : vector<512x416xf32>
    %logistic3A_36 = arith.negf %add3A_35 : vector<512x416xf32>
    %logistic3A_37 = math.exp %logistic3A_36 : vector<512x416xf32>
    %logistic3A_38 = arith.constant 1.000000e+00 : f32
    %logistic3A_39 = vector.broadcast %logistic3A_38 : f32 to vector<512x416xf32>
    %logistic3A_40 = arith.addf %logistic3A_39, %logistic3A_37 : vector<512x416xf32>
    %logistic3A_41 = arith.divf %logistic3A_39, %logistic3A_40 : vector<512x416xf32>
    %mul3A_42 = arith.constant 2.000000e+00 : f32
    %mul3A_43 = vector.broadcast %mul3A_42 : f32 to vector<512x416xf32>
    %mul3A_44 = arith.mulf %mul3A_43, %logistic3A_41 : vector<512x416xf32>
    %mul3A_45 = arith.mulf %get3A_1, %mul3A_44 : vector<512x416xf32>
    %swap3A_46 = arith.constant 0 : index
    %swap3A_47 = arith.constant 0 : index
    %swap3A_48 = vector.load %arg9[%swap3A_46, %swap3A_47] : memref<512x416xf32, #tpu.memory_space<vmem>>, vector<512x416xf32>
    tpu.vector_store %arg9[%swap3A_46, %swap3A_47], %mul3A_45 {strides = array<i32>} : memref<512x416xf32, #tpu.memory_space<vmem>>, vector<512x416xf32>,
    return
  }
  func.func @transform_0(%arg0: i32) -> (i32, i32) {
    %c0_i32 = arith.constant 0 : i32
    %c0_i32_0 = arith.constant 0 : i32
    return %arg0, %c0_i32 : i32, i32
  }
  func.func @transform_1(%arg0: i32) -> (i32, i32) {
    %c0_i32 = arith.constant 0 : i32
    %c0_i32_0 = arith.constant 0 : i32
    return %arg0, %c0_i32 : i32, i32
  }
  func.func @transform_2(%arg0: i32) -> (i32, i32) {
    %c0_i32 = arith.constant 0 : i32
    %c0_i32_0 = arith.constant 0 : i32
    return %arg0, %c0_i32 : i32, i32
  }
  func.func @transform_3(%arg0: i32) -> (i32, i32) {
    %c0_i32 = arith.constant 0 : i32
    %c0_i32_0 = arith.constant 0 : i32
    %c0_i32_1 = arith.constant 0 : i32
    return %c0_i32, %c0_i32_0 : i32, i32
  }
  func.func @transform_4(%arg0: i32) -> (i32, i32) {
    %c0_i32 = arith.constant 0 : i32
    %c0_i32_0 = arith.constant 0 : i32
    %c0_i32_1 = arith.constant 0 : i32
    return %c0_i32, %c0_i32_0 : i32, i32
  }
  func.func @transform_5(%arg0: i32) -> (i32, i32) {
    %c0_i32 = arith.constant 0 : i32
    %c0_i32_0 = arith.constant 0 : i32
    %c0_i32_1 = arith.constant 0 : i32
    return %c0_i32, %c0_i32_0 : i32, i32
  }
  func.func @transform_6(%arg0: i32) -> (i32, i32) {
    %c0_i32 = arith.constant 0 : i32
    %c0_i32_0 = arith.constant 0 : i32
    %c0_i32_1 = arith.constant 0 : i32
    return %c0_i32, %c0_i32_0 : i32, i32
  }
  func.func @transform_7(%arg0: i32) -> (i32, i32) {
    %c0_i32 = arith.constant 0 : i32
    %c0_i32_0 = arith.constant 0 : i32
    return %arg0, %c0_i32 : i32, i32
  }
  func.func @transform_8(%arg0: i32) -> (i32, i32) {
    %c0_i32 = arith.constant 0 : i32
    %c0_i32_0 = arith.constant 0 : i32
    return %arg0, %c0_i32 : i32, i32
  }
}

</mosaic_0001>

<sc_bundles>
// kernel: kernel.4.cloned.1.call-start
scs
__scs_entry_jumppad:
0x0: {  	(pc) =	sbr.rel $0x88, $3  }
0x1: {  	(tag) =	ssettag $0x0;
	lr =	simm.s32 $0x1  }
0x2: {  	[smem:$0x3F99] =	sst lr;
	_ =	strace $0xD0000000  }
0x3: {  	_ = 	snop  }
0x4: {  	_ = 	snop  }
0x5: {  	_ = 	snop  }
0x6: {  	_ = 	snop  }
0x7: {  	_ = 	snop  }
__scs_overlays_trampoline_lowered:
0x8: {  	[smem:$0x3FA8] =	sst s0  }
0x9: {  	[smem:$0x3FA9] =	sst s1  }
0xa: {  	[smem:$0x3FAA] =	sst s2  }
0xb: {  	[smem:$0x3FAB] =	sst s3  }
0xc: {  	[smem:$0x3FAC] =	sst s4  }
0xd: {  	[smem:$0x3FAD] =	sst s5  }
0xe: {  	[smem:$0x3FAE] =	sst s6  }
0xf: {  	[smem:$0x3FAF] =	sst s7  }
0x10: {  	[smem:$0x3FB0] =	sst s8  }
0x11: {  	[smem:$0x3FB1] =	sst s9;
	s0 =	simm.s32 @!p0 $0x0  }
0x12: {  	s1 =	sld [smem:$0x3F97];
	s0 =	simm.s32 @p0 $0x1  }
0x13: {  	[smem:$0x3FB2] =	sst s0;
	s0 =	simm.s32 @!p1 $0x0  }
0x14: {  	s2 =	sld [smem:$0x3F96];
	s0 =	simm.s32 @p1 $0x1  }
0x15: {  	[smem:$0x3FB3] =	sst s0;
	s0 =	simm.s32 @!p2 $0x0  }
0x16: {  	s3 =	sld [smem:$0x3FDB];
	s0 =	simm.s32 @p2 $0x1  }
0x17: {  	s4 =	simm.s32 $0x1BF5;
	[smem:$0x3FB5] =	sst s0  }
0x18: {  	s0 =	sld [smem:$0x3F98];
	_ =	swait.ge [sflag:s4], $0x0  }
0x19: {  	s7 =	sld [smem:$0x3F99]  }
0x1a: {  	s8 =	sadd.s32 $0xFFFFE003, lr  }
0x1b: {  	s9 =	sadd.s32 $0xFFFFFEF7, lr;
	s5 =	simm.s32 $0xFFFFFFFF;
	p2 =	slt.u32 s8, $0xFFFFF086  }
0x1c: {  	p1 =	slt.u32 s9, $0xF7A;
	s5 =	simm.s32 @!p2 $0x0  }
0x1d: {  	s5 =	simm.s32 @p1 $0x1;
	p0 =	seq.s32 s7, s2  }
0x1e: {  	s7 =	smul.u32 @!p0 $0xF7A, s2;
	p2 =	seq.s32 @!p0 s5, $0x0  }
0x1f: {  	s9 =	smul.u32 $0xF7A, s1;
	s8 =	simm.s32 @!p0 $0x1BF5;
	p2 =	por !p2, p0  }
0x20: {  	[sflag:s8] =	ssyncset.s32 @!p0 $0xFFFFF086;
	s6 =	sadd.s32 @!p0 s3, s7;
	s7 =	simm.s32 @!p0 $0x108  }
0x21: {  	s3 =	sadd.s32 s3, s9;
	s6 =	sadd.s32 @!p0 $0x88, s6;
	s7 =	simm.s32 @p2 $0x1082  }
0x22: {  	[simem:s7], [sflag:s8] =	dma.local @!p0 [hbm:s6], $0xF7A  }
0x23: {  	s9 =	sor.u32 $0xD0000000, s2;
	s6 =	simm.s32 $0x108;
	_ =	swait.ge @!p0 [sflag:s8], $0x0  }
0x24: {  	s3 =	sadd.s32 $0x88, s3;
	s6 =	simm.s32 @!p1 $0x1082;
	[sflag:s4] =	ssyncset.s32 $0xFFFFF086  }
0x25: {  	[simem:s6], [sflag:s4] =	dma.local [hbm:s3], $0xF7A  }
0x26: {  	[smem:$0x3F99] =	sst s1;
	(tag) =	ssettag s2;
	_ =	strace s9  }
0x27: {  	s1 =	sld [smem:$0x3FA9]  }
0x28: {  	s2 =	sld [smem:$0x3FAA]  }
0x29: {  	s4 =	sld [smem:$0x3FAC]  }
0x2a: {  	p0 =	seq.s32 s5, $0x0;
	s5 =	sld [smem:$0x3FAD]  }
0x2b: {  	s6 =	sld [smem:$0x3FAE]  }
0x2c: {  	s7 =	sld [smem:$0x3FAF]  }
0x2d: {  	s3 =	simm.s32 $0x108;
	s8 =	sld [smem:$0x3FB0]  }
0x2e: {  	s3 =	simm.s32 @!p0 $0x1082;
	s9 =	sld [smem:$0x3FB1]  }
0x2f: {  	lr =	sadd.s32 s0, s3;
	s0 =	sld [smem:$0x3FA8]  }
0x30: {  	s3 =	sld [smem:$0x3FAB]  }
0x31: {  	[smem:$0x3FB4] =	sst s10  }
0x32: {  	s10 =	sld [smem:$0x3FB2];
	_ =	sdelay $0x3  }
0x33: {  	p0 =	seq.s32 s10, $0x1;
	s10 =	sld [smem:$0x3FB4];
	_ =	sdelay $0x3  }
0x34: {  	[smem:$0x3FB4] =	sst s10  }
0x35: {  	s10 =	sld [smem:$0x3FB3];
	_ =	sdelay $0x3  }
0x36: {  	p1 =	seq.s32 s10, $0x1;
	s10 =	sld [smem:$0x3FB4];
	_ =	sdelay $0x3  }
0x37: {  	[smem:$0x3FB4] =	sst s10  }
0x38: {  	s10 =	sld [smem:$0x3FB5]  }
0x39: {  	_ = 	snop;
	(pc) =	sbr.ind lr, $3  }
0x3a: {  	_ = 	snop  }
0x3b: {  	_ = 	snop  }
0x3c: {  	p2 =	seq.s32 s10, $0x1;
	s10 =	sld [smem:$0x3FB4]  }
0x3d: {  	_ =	shalt  }
0x3e: {  	_ =	shalt  }
0x3f: {  	_ =	shalt  }
0x40: {  	_ =	shalt  }
0x41: {  	_ =	shalt  }
0x42: {  	_ =	shalt  }
0x43: {  	_ =	shalt  }
0x44: {  	_ =	shalt  }
0x45: {  	_ =	shalt  }
0x46: {  	_ =	shalt  }
0x47: {  	_ =	shalt  }
0x48: {  	_ =	shalt  }
0x49: {  	_ =	shalt  }
0x4a: {  	_ =	shalt  }
0x4b: {  	_ =	shalt  }
0x4c: {  	_ =	shalt  }
0x4d: {  	_ =	shalt  }
0x4e: {  	_ =	shalt  }
0x4f: {  	_ =	shalt  }
0x50: {  	_ =	shalt  }
0x51: {  	_ =	shalt  }
0x52: {  	_ =	shalt  }
0x53: {  	_ =	shalt  }
0x54: {  	_ =	shalt  }
0x55: {  	_ =	shalt  }
0x56: {  	_ =	shalt  }
0x57: {  	_ =	shalt  }
0x58: {  	_ =	shalt  }
0x59: {  	_ =	shalt  }
0x5a: {  	_ =	shalt  }
0x5b: {  	_ =	shalt  }
0x5c: {  	_ =	shalt  }
0x5d: {  	_ =	shalt  }
0x5e: {  	_ =	shalt  }
0x5f: {  	_ =	shalt  }
0x60: {  	_ =	shalt  }
0x61: {  	_ =	shalt  }
0x62: {  	_ =	shalt  }
0x63: {  	_ =	shalt  }
0x64: {  	_ =	shalt  }
0x65: {  	_ =	shalt  }
0x66: {  	_ =	shalt  }
0x67: {  	_ =	shalt  }
0x68: {  	_ =	shalt  }
0x69: {  	_ =	shalt  }
0x6a: {  	_ =	shalt  }
0x6b: {  	_ =	shalt  }
0x6c: {  	_ =	shalt  }
0x6d: {  	_ =	shalt  }
0x6e: {  	_ =	shalt  }
0x6f: {  	_ =	shalt  }
0x70: {  	_ =	shalt  }
0x71: {  	_ =	shalt  }
0x72: {  	_ =	shalt  }
0x73: {  	_ =	shalt  }
0x74: {  	_ =	shalt  }
0x75: {  	_ =	shalt  }
0x76: {  	_ =	shalt  }
0x77: {  	_ =	shalt  }
0x78: {  	_ =	shalt  }
0x79: {  	_ =	shalt  }
0x7a: {  	_ =	shalt  }
0x7b: {  	_ =	shalt  }
0x7c: {  	_ =	shalt  }
0x7d: {  	_ =	shalt  }
0x7e: {  	_ =	shalt  }
0x7f: {  	_ =	shalt  }
0x80: {  	_ =	shalt  }
0x81: {  	_ =	shalt  }
0x82: {  	_ =	shalt  }
0x83: {  	_ =	shalt  }
0x84: {  	_ =	shalt  }
0x85: {  	_ =	shalt  }
0x86: {  	_ =	shalt  }
0x87: {  	_ =	shalt  }
.Lfunc_end0:
.L_simem_size_0:
called_computation_lowered:
.L_overlay_start_0:
0x88: {  	s2 =	sld [smem:$0x3FD9]  }
0x89: {  	s3 =	sld [smem:$0x3FFE];
	_ =	sdelay $0x1  }
0x8a: {  	s1 =	srdreg.scid  }
0x8b: {  	s0 =	sand.u32 $0x1, s1  }
0x8c: {  	s14 =	sshll.u32 s0, $0xA;
	s2 =	sadd.s32 s3, s2  }
0x8d: {  	s2 =	sadd.s32 s2, s14  }
0x8e: {  	[smem:$0x3FC0] =	sst s2  }
0x8f: {  	_ = 	snop  }
0x90: {  	s2 =	sld [smem:$0x3FD0];
	_ =	sdelay $0x2  }
0x91: {  	s15 =	simm.s32 $0xA;
	s4 =	simm.s32 $0x10  }
0x92: {  	[smem:s4], [sflag:s15] =	dma.local [hbm:s2], $0x1  }
0x93: {  	_ =	swait.eq [sflag:s15], $0x1  }
0x94: {  	[sflag:s15] =	ssyncset.done $0x0  }
0x95: {  	s16 =	sld [smem:$0x10];
	[sflag:s15] =	ssyncadd.s32 $0xFFFFFFFF  }
0x96: {  	s17 =	sld [smem:$0x11];
	(tm) =	ssettm $0x1  }
0x97: {  	s18 =	sld [smem:$0x3FFB];
	_ =	sdelay $0x3  }
0x98: {  	_ =	strace s18  }
0x99: {  	s4 =	sld [smem:$0x3FFC];
	_ =	sdelay $0x3  }
0x9a: {  	_ =	strace s4  }
0x9b: {  	s4 =	sld [smem:$0x3FFD];
	_ =	sdelay $0x3  }
0x9c: {  	_ =	strace s4  }
0x9d: {  	_ =	strace $0x8FFFFFFF  }
0x9e: {  	s19 =	sld [smem:$0x3FDB];
	_ =	sdelay $0x1  }
0x9f: {  	s5 =	simm.s32 $_scs_section_size  }
0xa0: {  	s6 =	simm.s32 $_size__tile_overlayer_lowered;
	s7 =	simm.s32 $_tile_overlayer_lowered  }
0xa1: {  	s22 =	simm.s32 $0x1BFF;
	s21 =	sshll.u32 s7, $0x1;
	s4 =	sadd.s32 s5, s19  }
0xa2: {  	s8 =	simm.s32 $0x0;
	s20 =	sshll.u32 s6, $0x1;
	s6 =	sadd.s32 s21, s4  }
0xa3: {  	[timem:s8], [sflag:s22] =	dma.local [hbm:s6], s20  }
0xa4: {  	_ =	swait.ge [sflag:s22], s20  }
0xa5: {  	s5 =	ssub.s32 $0x0, s20;
	[sflag:s22] =	ssyncset.done $0x0  }
0xa6: {  	[sflag:s22] =	ssyncadd.s32 s5;
	_ =	sdelay $0x1  }
0xa7: {  	s23 =	simm.s32 $0x1B8B  }
0xa8: {  	_ =	swait.ge [sflag:s23], $0x1  }
0xa9: {  	[sflag:s23] =	ssyncset.done $0x0  }
0xaa: {  	s25 =	simm.s32 $0x1B8E;
	s24 =	sld [smem:$0x3FFE];
	[sflag:s23] =	ssyncadd.s32 $0xFFFFFFFF  }
0xab: {  	s26 =	simm.s32 $execute0_lowered;
	[smem:$0x3FD2] =	sst s25  }
0xac: {  	s6 =	sshll.u32 s26, $0x1;
	_ =	strace $0x80000046;
	[dreg:$0x1] =	wrdreg $0xFFFFFFFF  }
0xad: {  	s28 =	simm.s32 $_size_execute0_lowered;
	s4 =	sadd.s32 s4, s6;
	[dreg:$0x0] =	wrdreg $0x0  }
0xae: {  	s6 =	sshll.u32 s28, $0x1;
	[dreg:$0x2] =	wrdreg s4  }
0xaf: {  	[dreg:$0x3] =	wrdreg s6  }
0xb0: {  	[dreg:$0x4] =	wrdreg $0xC0  }
0xb1: {  	_ =	task [dreg:s8], $0x5FFFF  }
0xb2: {  	[dreg:$0x1] =	wrdreg $0xFFFFFFFF  }
0xb3: {  	[dreg:$0x0] =	wrdreg $0x60  }
0xb4: {  	[dreg:$0x2] =	wrdreg s24  }
0xb5: {  	[dreg:$0x3] =	wrdreg s17  }
0xb6: {  	[dreg:$0x4] =	wrdreg s16  }
0xb7: {  	[dreg:$0x5] =	wrdreg $0x9  }
0xb8: {  	_ =	task.clear_ibuf [dreg:s8], $0x6FFFF;
	_ =	strace $0x90000046  }
0xb9: {  	s29 =	simm.s32 $0x9;
	_ =	strace $0x80000048  }
0xba: {  	_ =	swait.ge [sflag:s29], $0x1  }
0xbb: {  	[sflag:s29] =	ssyncadd.s32 $0xFFFFFFFF  }
0xbc: {  	_ =	strace $0x90000048  }
0xbd: {  	_ =	sfence  }
0xbe: {  	s30 =	sld [smem:$0x0];
	_ =	sdelay $0x2  }
0xbf: {  	s31 =	sshll.u32 s1, $0xD;
	s1 =	sshrl.u32 s1, $0x2  }
0xc0: {  	s3 =	sand.u32 $0x4000, s31;
	s1 =	sadd.s32 s1, s30  }
0xc1: {  	s0 =	sor.u32 s3, s0;
	s1 =	sshll.u32 s1, $0x11  }
0xc2: {  	s0 =	sor.u32 s1, s0  }
0xc3: {  	s0 =	sadd.s32 $0x8F2B, s0  }
0xc4: {  	[sflag:s0] =	ssyncadd.remote.s32 $0x1  }
0xc5: {  	_ =	sfence.sel $0xFFFF  }
0xc6: {  	[dreg:$0x0] =	wrdreg $0xFFFFFFFF;
	(pc) =	sbr.abs _section_cstart, $3  }
0xc7: {  	[dreg:$0x1] =	wrdreg $0xFFFFFFFF  }
0xc8: {  	_ =	task.clear_ibuf [dreg:s8], $0x2FFFF;
	_ =	strace $0x9FFFFFFF  }
0xc9: {  	(tm) =	ssettm $0x7FFFFFFF  }
tec
execute0_lowered:
.L_overlay_start_1:
0x0: {  	(tag) =	ssettag $0x1  }
0x1: {  	s0 =	rddreg [dreg:$0x0]  }
0x2: {  	s1 =	srdreg.scid;
	s3 =	rddreg [dreg:$0x1]  }
0x3: {  	s2 =	stileid.u32;
	s6 =	rddreg [dreg:$0x2];
	s11 =	simm.s32 $0x0  }
0x4: {  	s10 =	simm.s32 $0x2;
	s12 =	simm.s32 $0x80;
	s14 =	simm.s32 $0x1  }
0x5: {  	s9 =	simm.s32 $0x0;
	s18 =	simm.s32 $0x2A00;
	s20 =	simm.s32 $0x3200  }
0x6: {  	s29 =	simm.s32 $0x5200;
	s31 =	simm.s32 $0x5A00;
	s13 =	simm.s32 $0x7A00  }
0x7: {  	s19 =	simm.s32 $0xAA00;
	s21 =	simm.s32 $0xB200;
	s28 =	simm.s32 $0xCA00  }
0x8: {  	s30 =	simm.s32 $0xD200;
	s1 =	sand.u32 $0x1, s1;
	s2 =	sshll.u32 s2, $0x1  }
0x9: {  	[smem:$0x7FF] =	sst s11;
	s22 =	sadd.s32 $0x5400, s0;
	s4 =	sor.u32 s1, s2  }
0xa: {  	_ =	strace $0x80000047;
	[dreg:$0x4] =	wrdreg s22;
	s5 =	smul.u32 $0x1A0, s4  }
0xb: {  	s1 =	ssub.s32 $0x2, s1;
	s22 =	simm.s32 $0x3A00;
	s8 =	smul.u32 $0x1A00, s4  }
0xc: {  	s4 =	sadd.s32 $0x112CC00, s0;
	s23 =	sshrl.u32 s1, $0x1;
	s7 =	sadd.s32 s5, s0  }
0xd: {  	s5 =	sadd.s32 $0xF44600, s0;
	s0 =	ssub.s32 s1, s23;
	s25 =	sadd.s32 s3, s8  }
0xe: {  	s26 =	sadd.s32 s6, s8;
	s3 =	simm.s32 $0x6A00;
	s6 =	simm.s32 $0x8A00  }
0xf: {  	s8 =	simm.s32 $0x9200;
	s23 =	simm.s32 $0xBA00;
	[dreg:$0x6] =	wrdreg s25  }
0x10: {  	s24 =	sadd.s32 $0x2000, s7;
	[dreg:$0x7] =	wrdreg s26;
	s0 =	smax.u32 s0, $0x1  }
0x11: {  	s26 =	simm.s32 $0x4A00;
	s7 =	simm.s32 $0x7200;
	[dreg:$0x5] =	wrdreg s24  }
0x12: {  	s25 =	simm.s32 $0xC200;
	[dreg:$0x8] =	wrdreg s0;
	s24 =	simm.s32 $0x4200  }
.LBB2_1:
0x13: {  	s15 =	rddreg [dreg:$0x5]  }
0x14: {  	[tilespmem:s11], [sflag:$0x2] =	stream.linear.gather [hbm4b:s15+s11], $0xD00, $0x38;
	[tilespmem:$0xEA00] =	vst v63  }
0x15: {  	_ =	swait.ge [sflag:s10], $0xD00  }
0x16: {  	[sflag:s10] =	ssyncset.done $0x0  }
0x17: {  	s16 =	simm.s32 $0xD00;
	s17 =	rddreg [dreg:$0x4];
	[sflag:s10] =	ssyncadd.s32 $0xFFFFF300  }
0x18: {  	[tilespmem:s16], [sflag:$0x2] =	stream.linear.gather [hbm4b:s17+s11], $0xD00, $0x38;
	[tilespmem:$0xEA00] =	vst v63  }
0x19: {  	_ =	swait.ge [sflag:s10], $0xD00  }
0x1a: {  	[sflag:s10] =	ssyncset.done $0x0  }
0x1b: {  	s15 =	simm.s32 $0x0;
	[sflag:s10] =	ssyncadd.s32 $0xFFFFF300  }
0x1c: {  	s16 =	simm.s32 $0x40;
	v0 =	vld [tilespmem:s15+$0xD00]  }
.LBB2_2:
0x1d: {  	p0 =	sne.s32 s16, $0x33C0;
	v1 =	vld [tilespmem:s15+$0x0];
	_ =	sdelay $0x1  }
.Ltmp0:
0x1e: {  	(pc) =	sbr.rel @p0 .LBB2_2-.Ltmp0, $3  }
0x1f: {  	_ =	sdelay $0x1  }
0x20: {  	s17 =	sshra.s32 s16, $0x2;
	v1 =	vadd.s32 v1, v0  }
0x21: {  	s16 =	sadd.s32 $0x40, s16;
	v0 =	vld [tilespmem:s17+$0xD00];
	[tilespmem:s15+$0x0] =	vst v1;
	s15 =	smov.u32 s17  }
0x22: {  	v1 =	vld [tilespmem:s15+$0x0];
	_ =	sdelay $0x4  }
0x23: {  	v0 =	vadd.s32 v1, v0  }
0x24: {  	s0 =	simm.s32 $0x1A00;
	[tilespmem:s15+$0x0] =	vst v0  }
0x25: {  	[tilespmem:s0], [sflag:$0x1] =	stream.indirect.gather [hbm4b:s4+s12], $0x10, s11, s12, $0xb8;
	[tilespmem:$0xEA00] =	vst v63  }
0x26: {  	s16 =	simm.s32 $0x2200  }
0x27: {  	[tilespmem:s16], [sflag:$0x1] =	stream.indirect.gather [hbm4b:s4+s12], $0x10, s12, s12, $0xb8;
	[tilespmem:$0xEA00] =	vst v63  }
0x28: {  	s17 =	simm.s32 $0x100  }
0x29: {  	[tilespmem:s18], [sflag:$0x1] =	stream.indirect.gather [hbm4b:s4+s12], $0x10, s17, s12, $0xb8;
	[tilespmem:$0xEA00] =	vst v63  }
0x2a: {  	s1 =	simm.s32 $0x180  }
0x2b: {  	[tilespmem:s20], [sflag:$0x1] =	stream.indirect.gather [hbm4b:s4+s12], $0x10, s1, s12, $0xb8;
	[tilespmem:$0xEA00] =	vst v63  }
0x2c: {  	s2 =	simm.s32 $0x200  }
0x2d: {  	[tilespmem:s22], [sflag:$0x1] =	stream.indirect.gather [hbm4b:s4+s12], $0x10, s2, s12, $0xb8;
	[tilespmem:$0xEA00] =	vst v63  }
0x2e: {  	s11 =	simm.s32 $0x280  }
0x2f: {  	[tilespmem:s24], [sflag:$0x1] =	stream.indirect.gather [hbm4b:s4+s12], $0x10, s11, s12, $0xb8;
	[tilespmem:$0xEA00] =	vst v63  }
0x30: {  	s15 =	simm.s32 $0x300  }
0x31: {  	[tilespmem:s26], [sflag:$0x1] =	stream.indirect.gather [hbm4b:s4+s12], $0x10, s15, s12, $0xb8;
	[tilespmem:$0xEA00] =	vst v63  }
0x32: {  	s16 =	simm.s32 $0x380  }
0x33: {  	[tilespmem:s29], [sflag:$0x1] =	stream.indirect.gather [hbm4b:s4+s12], $0x10, s16, s12, $0xb8;
	[tilespmem:$0xEA00] =	vst v63  }
0x34: {  	s17 =	simm.s32 $0x400  }
0x35: {  	[tilespmem:s31], [sflag:$0x1] =	stream.indirect.gather [hbm4b:s4+s12], $0x10, s17, s12, $0xb8;
	[tilespmem:$0xEA00] =	vst v63  }
0x36: {  	s1 =	simm.s32 $0x480;
	s11 =	simm.s32 $0x6200  }
0x37: {  	[tilespmem:s11], [sflag:$0x1] =	stream.indirect.gather [hbm4b:s4+s12], $0x10, s1, s12, $0xb8;
	[tilespmem:$0xEA00] =	vst v63  }
0x38: {  	s2 =	simm.s32 $0x500  }
0x39: {  	[tilespmem:s3], [sflag:$0x1] =	stream.indirect.gather [hbm4b:s4+s12], $0x10, s2, s12, $0xb8;
	[tilespmem:$0xEA00] =	vst v63  }
0x3a: {  	s15 =	simm.s32 $0x580  }
0x3b: {  	[tilespmem:s7], [sflag:$0x1] =	stream.indirect.gather [hbm4b:s4+s12], $0x10, s15, s12, $0xb8;
	[tilespmem:$0xEA00] =	vst v63  }
0x3c: {  	s16 =	simm.s32 $0x600  }
0x3d: {  	[tilespmem:s13], [sflag:$0x1] =	stream.indirect.gather [hbm4b:s4+s12], $0x10, s16, s12, $0xb8;
	[tilespmem:$0xEA00] =	vst v63  }
0x3e: {  	s17 =	simm.s32 $0x680;
	s2 =	simm.s32 $0x8200  }
0x3f: {  	[tilespmem:s2], [sflag:$0x1] =	stream.indirect.gather [hbm4b:s4+s12], $0x10, s17, s12, $0xb8;
	[tilespmem:$0xEA00] =	vst v63  }
0x40: {  	s15 =	simm.s32 $0x700  }
0x41: {  	[tilespmem:s6], [sflag:$0x1] =	stream.indirect.gather [hbm4b:s4+s12], $0x10, s15, s12, $0xb8;
	[tilespmem:$0xEA00] =	vst v63  }
0x42: {  	s16 =	simm.s32 $0x780  }
0x43: {  	[tilespmem:s8], [sflag:$0x1] =	stream.indirect.gather [hbm4b:s4+s12], $0x10, s16, s12, $0xb8;
	[tilespmem:$0xEA00] =	vst v63  }
0x44: {  	s17 =	simm.s32 $0x800;
	s16 =	simm.s32 $0x9A00  }
0x45: {  	[tilespmem:s16], [sflag:$0x1] =	stream.indirect.gather [hbm4b:s4+s12], $0x10, s17, s12, $0xb8;
	[tilespmem:$0xEA00] =	vst v63  }
0x46: {  	s15 =	simm.s32 $0x880;
	s17 =	simm.s32 $0xA200  }
0x47: {  	[tilespmem:s17], [sflag:$0x1] =	stream.indirect.gather [hbm4b:s4+s12], $0x10, s15, s12, $0xb8;
	[tilespmem:$0xEA00] =	vst v63  }
0x48: {  	s15 =	simm.s32 $0x900  }
0x49: {  	[tilespmem:s19], [sflag:$0x1] =	stream.indirect.gather [hbm4b:s4+s12], $0x10, s15, s12, $0xb8;
	[tilespmem:$0xEA00] =	vst v63  }
0x4a: {  	s15 =	simm.s32 $0x980  }
0x4b: {  	[tilespmem:s21], [sflag:$0x1] =	stream.indirect.gather [hbm4b:s4+s12], $0x10, s15, s12, $0xb8;
	[tilespmem:$0xEA00] =	vst v63  }
0x4c: {  	s15 =	simm.s32 $0xA00  }
0x4d: {  	[tilespmem:s23], [sflag:$0x1] =	stream.indirect.gather [hbm4b:s4+s12], $0x10, s15, s12, $0xb8;
	[tilespmem:$0xEA00] =	vst v63  }
0x4e: {  	s15 =	simm.s32 $0xA80  }
0x4f: {  	[tilespmem:s25], [sflag:$0x1] =	stream.indirect.gather [hbm4b:s4+s12], $0x10, s15, s12, $0xb8;
	[tilespmem:$0xEA00] =	vst v63  }
0x50: {  	s15 =	simm.s32 $0xB00  }
0x51: {  	[tilespmem:s28], [sflag:$0x1] =	stream.indirect.gather [hbm4b:s4+s12], $0x10, s15, s12, $0xb8;
	[tilespmem:$0xEA00] =	vst v63  }
0x52: {  	s15 =	simm.s32 $0xB80  }
0x53: {  	[tilespmem:s30], [sflag:$0x1] =	stream.indirect.gather [hbm4b:s4+s12], $0x10, s15, s12, $0xb8;
	[tilespmem:$0xEA00] =	vst v63  }
0x54: {  	s0 =	simm.s32 $0xC00;
	s15 =	simm.s32 $0xDA00  }
0x55: {  	[tilespmem:s15], [sflag:$0x1] =	stream.indirect.gather [hbm4b:s4+s12], $0x10, s0, s12, $0xb8;
	[tilespmem:$0xEA00] =	vst v63  }
0x56: {  	s0 =	simm.s32 $0xC80;
	s15 =	simm.s32 $0xE200  }
0x57: {  	[tilespmem:s15], [sflag:$0x1] =	stream.indirect.gather [hbm4b:s4+s12], $0x10, s0, s12, $0xb8;
	[tilespmem:$0xEA00] =	vst v63  }
0x58: {  	_ =	swait.ge [sflag:s14], $0x800  }
0x59: {  	[sflag:s14] =	ssyncset.done $0x0  }
0x5a: {  	[sflag:s14] =	ssyncadd.s32 $0xFFFFF800  }
0x5b: {  	_ =	swait.ge [sflag:s14], $0x800  }
0x5c: {  	[sflag:s14] =	ssyncset.done $0x0  }
0x5d: {  	[sflag:s14] =	ssyncadd.s32 $0xFFFFF800  }
0x5e: {  	_ =	swait.ge [sflag:s14], $0x800  }
0x5f: {  	[sflag:s14] =	ssyncset.done $0x0  }
0x60: {  	[sflag:s14] =	ssyncadd.s32 $0xFFFFF800  }
0x61: {  	_ =	swait.ge [sflag:s14], $0x800  }
0x62: {  	[sflag:s14] =	ssyncset.done $0x0  }
0x63: {  	[sflag:s14] =	ssyncadd.s32 $0xFFFFF800  }
0x64: {  	_ =	swait.ge [sflag:s14], $0x800  }
0x65: {  	[sflag:s14] =	ssyncset.done $0x0  }
0x66: {  	[sflag:s14] =	ssyncadd.s32 $0xFFFFF800  }
0x67: {  	_ =	swait.ge [sflag:s14], $0x800  }
0x68: {  	[sflag:s14] =	ssyncset.done $0x0  }
0x69: {  	[sflag:s14] =	ssyncadd.s32 $0xFFFFF800  }
0x6a: {  	_ =	swait.ge [sflag:s14], $0x800  }
0x6b: {  	[sflag:s14] =	ssyncset.done $0x0  }
0x6c: {  	[sflag:s14] =	ssyncadd.s32 $0xFFFFF800  }
0x6d: {  	_ =	swait.ge [sflag:s14], $0x800  }
0x6e: {  	[sflag:s14] =	ssyncset.done $0x0  }
0x6f: {  	[sflag:s14] =	ssyncadd.s32 $0xFFFFF800  }
0x70: {  	_ =	swait.ge [sflag:s14], $0x800  }
0x71: {  	[sflag:s14] =	ssyncset.done $0x0  }
0x72: {  	[sflag:s14] =	ssyncadd.s32 $0xFFFFF800  }
0x73: {  	_ =	swait.ge [sflag:s14], $0x800  }
0x74: {  	[sflag:s14] =	ssyncset.done $0x0  }
0x75: {  	[sflag:s14] =	ssyncadd.s32 $0xFFFFF800  }
0x76: {  	_ =	swait.ge [sflag:s14], $0x800  }
0x77: {  	[sflag:s14] =	ssyncset.done $0x0  }
0x78: {  	[sflag:s14] =	ssyncadd.s32 $0xFFFFF800  }
0x79: {  	_ =	swait.ge [sflag:s14], $0x800  }
0x7a: {  	[sflag:s14] =	ssyncset.done $0x0  }
0x7b: {  	[sflag:s14] =	ssyncadd.s32 $0xFFFFF800  }
0x7c: {  	_ =	swait.ge [sflag:s14], $0x800  }
0x7d: {  	[sflag:s14] =	ssyncset.done $0x0  }
0x7e: {  	[sflag:s14] =	ssyncadd.s32 $0xFFFFF800  }
0x7f: {  	_ =	swait.ge [sflag:s14], $0x800  }
0x80: {  	[sflag:s14] =	ssyncset.done $0x0  }
0x81: {  	[sflag:s14] =	ssyncadd.s32 $0xFFFFF800  }
0x82: {  	_ =	swait.ge [sflag:s14], $0x800  }
0x83: {  	[sflag:s14] =	ssyncset.done $0x0  }
0x84: {  	[sflag:s14] =	ssyncadd.s32 $0xFFFFF800  }
0x85: {  	_ =	swait.ge [sflag:s14], $0x800  }
0x86: {  	[sflag:s14] =	ssyncset.done $0x0  }
0x87: {  	[sflag:s14] =	ssyncadd.s32 $0xFFFFF800  }
0x88: {  	_ =	swait.ge [sflag:s14], $0x800  }
0x89: {  	[sflag:s14] =	ssyncset.done $0x0  }
0x8a: {  	[sflag:s14] =	ssyncadd.s32 $0xFFFFF800  }
0x8b: {  	_ =	swait.ge [sflag:s14], $0x800  }
0x8c: {  	[sflag:s14] =	ssyncset.done $0x0  }
0x8d: {  	[sflag:s14] =	ssyncadd.s32 $0xFFFFF800  }
0x8e: {  	_ =	swait.ge [sflag:s14], $0x800  }
0x8f: {  	[sflag:s14] =	ssyncset.done $0x0  }
0x90: {  	[sflag:s14] =	ssyncadd.s32 $0xFFFFF800  }
0x91: {  	_ =	swait.ge [sflag:s14], $0x800  }
0x92: {  	[sflag:s14] =	ssyncset.done $0x0  }
0x93: {  	[sflag:s14] =	ssyncadd.s32 $0xFFFFF800  }
0x94: {  	_ =	swait.ge [sflag:s14], $0x800  }
0x95: {  	[sflag:s14] =	ssyncset.done $0x0  }
0x96: {  	[sflag:s14] =	ssyncadd.s32 $0xFFFFF800  }
0x97: {  	_ =	swait.ge [sflag:s14], $0x800  }
0x98: {  	[sflag:s14] =	ssyncset.done $0x0  }
0x99: {  	[sflag:s14] =	ssyncadd.s32 $0xFFFFF800  }
0x9a: {  	_ =	swait.ge [sflag:s14], $0x800  }
0x9b: {  	[sflag:s14] =	ssyncset.done $0x0  }
0x9c: {  	[sflag:s14] =	ssyncadd.s32 $0xFFFFF800  }
0x9d: {  	_ =	swait.ge [sflag:s14], $0x800  }
0x9e: {  	[sflag:s14] =	ssyncset.done $0x0  }
0x9f: {  	[sflag:s14] =	ssyncadd.s32 $0xFFFFF800  }
0xa0: {  	_ =	swait.ge [sflag:s14], $0x800  }
0xa1: {  	[sflag:s14] =	ssyncset.done $0x0  }
0xa2: {  	[sflag:s14] =	ssyncadd.s32 $0xFFFFF800  }
0xa3: {  	_ =	swait.ge [sflag:s14], $0x800  }
0xa4: {  	s1 =	simm.s32 $0x0;
	[sflag:s14] =	ssyncset.done $0x0  }
0xa5: {  	s0 =	simm.s32 $0x1A00;
	s15 =	rddreg [dreg:$0x6];
	[sflag:s14] =	ssyncadd.s32 $0xFFFFF800  }
0xa6: {  	[hbm4b:s15+s1] =	stream.linear.scatter [tilespmem:s0], [sflag:$0x2], $0xD000, $0x38;
	[tilespmem:$0xEA00] =	vst v63  }
0xa7: {  	_ =	swait.ge [sflag:s10], $0xD000  }
0xa8: {  	[sflag:s10] =	ssyncset.done $0x0  }
0xa9: {  	[sflag:s10] =	ssyncadd.s32 $0xFFFF3000  }
0xaa: {  	[tilespmem:s0], [sflag:$0x1] =	stream.indirect.gather [hbm4b:s5+s12], $0x10, s1, s12, $0xb8;
	[tilespmem:$0xEA00] =	vst v63  }
0xab: {  	s15 =	simm.s32 $0x2200  }
0xac: {  	[tilespmem:s15], [sflag:$0x1] =	stream.indirect.gather [hbm4b:s5+s12], $0x10, s12, s12, $0xb8;
	[tilespmem:$0xEA00] =	vst v63  }
0xad: {  	s15 =	simm.s32 $0x100  }
0xae: {  	[tilespmem:s18], [sflag:$0x1] =	stream.indirect.gather [hbm4b:s5+s12], $0x10, s15, s12, $0xb8;
	[tilespmem:$0xEA00] =	vst v63  }
0xaf: {  	s15 =	simm.s32 $0x180  }
0xb0: {  	[tilespmem:s20], [sflag:$0x1] =	stream.indirect.gather [hbm4b:s5+s12], $0x10, s15, s12, $0xb8;
	[tilespmem:$0xEA00] =	vst v63  }
0xb1: {  	s15 =	simm.s32 $0x200  }
0xb2: {  	[tilespmem:s22], [sflag:$0x1] =	stream.indirect.gather [hbm4b:s5+s12], $0x10, s15, s12, $0xb8;
	[tilespmem:$0xEA00] =	vst v63  }
0xb3: {  	s15 =	simm.s32 $0x280  }
0xb4: {  	[tilespmem:s24], [sflag:$0x1] =	stream.indirect.gather [hbm4b:s5+s12], $0x10, s15, s12, $0xb8;
	[tilespmem:$0xEA00] =	vst v63  }
0xb5: {  	s15 =	simm.s32 $0x300  }
0xb6: {  	[tilespmem:s26], [sflag:$0x1] =	stream.indirect.gather [hbm4b:s5+s12], $0x10, s15, s12, $0xb8;
	[tilespmem:$0xEA00] =	vst v63  }
0xb7: {  	s15 =	simm.s32 $0x380  }
0xb8: {  	[tilespmem:s29], [sflag:$0x1] =	stream.indirect.gather [hbm4b:s5+s12], $0x10, s15, s12, $0xb8;
	[tilespmem:$0xEA00] =	vst v63  }
0xb9: {  	s15 =	simm.s32 $0x400  }
0xba: {  	[tilespmem:s31], [sflag:$0x1] =	stream.indirect.gather [hbm4b:s5+s12], $0x10, s15, s12, $0xb8;
	[tilespmem:$0xEA00] =	vst v63  }
0xbb: {  	s15 =	simm.s32 $0x480  }
0xbc: {  	[tilespmem:s11], [sflag:$0x1] =	stream.indirect.gather [hbm4b:s5+s12], $0x10, s15, s12, $0xb8;
	[tilespmem:$0xEA00] =	vst v63  }
0xbd: {  	s11 =	simm.s32 $0x500  }
0xbe: {  	[tilespmem:s3], [sflag:$0x1] =	stream.indirect.gather [hbm4b:s5+s12], $0x10, s11, s12, $0xb8;
	[tilespmem:$0xEA00] =	vst v63  }
0xbf: {  	s15 =	simm.s32 $0x580  }
0xc0: {  	[tilespmem:s7], [sflag:$0x1] =	stream.indirect.gather [hbm4b:s5+s12], $0x10, s15, s12, $0xb8;
	[tilespmem:$0xEA00] =	vst v63  }
0xc1: {  	s15 =	simm.s32 $0x600  }
0xc2: {  	[tilespmem:s13], [sflag:$0x1] =	stream.indirect.gather [hbm4b:s5+s12], $0x10, s15, s12, $0xb8;
	[tilespmem:$0xEA00] =	vst v63  }
0xc3: {  	s15 =	simm.s32 $0x680  }
0xc4: {  	[tilespmem:s2], [sflag:$0x1] =	stream.indirect.gather [hbm4b:s5+s12], $0x10, s15, s12, $0xb8;
	[tilespmem:$0xEA00] =	vst v63  }
0xc5: {  	s15 =	simm.s32 $0x700  }
0xc6: {  	[tilespmem:s6], [sflag:$0x1] =	stream.indirect.gather [hbm4b:s5+s12], $0x10, s15, s12, $0xb8;
	[tilespmem:$0xEA00] =	vst v63  }
0xc7: {  	s2 =	simm.s32 $0x780  }
0xc8: {  	[tilespmem:s8], [sflag:$0x1] =	stream.indirect.gather [hbm4b:s5+s12], $0x10, s2, s12, $0xb8;
	[tilespmem:$0xEA00] =	vst v63  }
0xc9: {  	s15 =	simm.s32 $0x800  }
0xca: {  	[tilespmem:s16], [sflag:$0x1] =	stream.indirect.gather [hbm4b:s5+s12], $0x10, s15, s12, $0xb8;
	[tilespmem:$0xEA00] =	vst v63  }
0xcb: {  	s16 =	simm.s32 $0x880  }
0xcc: {  	[tilespmem:s17], [sflag:$0x1] =	stream.indirect.gather [hbm4b:s5+s12], $0x10, s16, s12, $0xb8;
	[tilespmem:$0xEA00] =	vst v63  }
0xcd: {  	s2 =	simm.s32 $0x900  }
0xce: {  	[tilespmem:s19], [sflag:$0x1] =	stream.indirect.gather [hbm4b:s5+s12], $0x10, s2, s12, $0xb8;
	[tilespmem:$0xEA00] =	vst v63  }
0xcf: {  	s15 =	simm.s32 $0x980  }
0xd0: {  	[tilespmem:s21], [sflag:$0x1] =	stream.indirect.gather [hbm4b:s5+s12], $0x10, s15, s12, $0xb8;
	[tilespmem:$0xEA00] =	vst v63  }
0xd1: {  	s16 =	simm.s32 $0xA00  }
0xd2: {  	[tilespmem:s23], [sflag:$0x1] =	stream.indirect.gather [hbm4b:s5+s12], $0x10, s16, s12, $0xb8;
	[tilespmem:$0xEA00] =	vst v63  }
0xd3: {  	s17 =	simm.s32 $0xA80  }
0xd4: {  	[tilespmem:s25], [sflag:$0x1] =	stream.indirect.gather [hbm4b:s5+s12], $0x10, s17, s12, $0xb8;
	[tilespmem:$0xEA00] =	vst v63  }
0xd5: {  	s2 =	simm.s32 $0xB00  }
0xd6: {  	[tilespmem:s28], [sflag:$0x1] =	stream.indirect.gather [hbm4b:s5+s12], $0x10, s2, s12, $0xb8;
	[tilespmem:$0xEA00] =	vst v63  }
0xd7: {  	s15 =	simm.s32 $0xB80  }
0xd8: {  	[tilespmem:s30], [sflag:$0x1] =	stream.indirect.gather [hbm4b:s5+s12], $0x10, s15, s12, $0xb8;
	[tilespmem:$0xEA00] =	vst v63  }
0xd9: {  	s16 =	simm.s32 $0xC00;
	s17 =	simm.s32 $0xDA00  }
0xda: {  	[tilespmem:s17], [sflag:$0x1] =	stream.indirect.gather [hbm4b:s5+s12], $0x10, s16, s12, $0xb8;
	[tilespmem:$0xEA00] =	vst v63  }
0xdb: {  	s2 =	simm.s32 $0xC80;
	s15 =	simm.s32 $0xE200  }
0xdc: {  	[tilespmem:s15], [sflag:$0x1] =	stream.indirect.gather [hbm4b:s5+s12], $0x10, s2, s12, $0xb8;
	[tilespmem:$0xEA00] =	vst v63  }
0xdd: {  	_ =	swait.ge [sflag:s14], $0x800  }
0xde: {  	[sflag:s14] =	ssyncset.done $0x0  }
0xdf: {  	[sflag:s14] =	ssyncadd.s32 $0xFFFFF800  }
0xe0: {  	_ =	swait.ge [sflag:s14], $0x800  }
0xe1: {  	[sflag:s14] =	ssyncset.done $0x0  }
0xe2: {  	[sflag:s14] =	ssyncadd.s32 $0xFFFFF800  }
0xe3: {  	_ =	swait.ge [sflag:s14], $0x800  }
0xe4: {  	[sflag:s14] =	ssyncset.done $0x0  }
0xe5: {  	[sflag:s14] =	ssyncadd.s32 $0xFFFFF800  }
0xe6: {  	_ =	swait.ge [sflag:s14], $0x800  }
0xe7: {  	[sflag:s14] =	ssyncset.done $0x0  }
0xe8: {  	[sflag:s14] =	ssyncadd.s32 $0xFFFFF800  }
0xe9: {  	_ =	swait.ge [sflag:s14], $0x800  }
0xea: {  	[sflag:s14] =	ssyncset.done $0x0  }
0xeb: {  	[sflag:s14] =	ssyncadd.s32 $0xFFFFF800  }
0xec: {  	_ =	swait.ge [sflag:s14], $0x800  }
0xed: {  	[sflag:s14] =	ssyncset.done $0x0  }
0xee: {  	[sflag:s14] =	ssyncadd.s32 $0xFFFFF800  }
0xef: {  	_ =	swait.ge [sflag:s14], $0x800  }
0xf0: {  	[sflag:s14] =	ssyncset.done $0x0  }
0xf1: {  	[sflag:s14] =	ssyncadd.s32 $0xFFFFF800  }
0xf2: {  	_ =	swait.ge [sflag:s14], $0x800  }
0xf3: {  	[sflag:s14] =	ssyncset.done $0x0  }
0xf4: {  	[sflag:s14] =	ssyncadd.s32 $0xFFFFF800  }
0xf5: {  	_ =	swait.ge [sflag:s14], $0x800  }
0xf6: {  	[sflag:s14] =	ssyncset.done $0x0  }
0xf7: {  	[sflag:s14] =	ssyncadd.s32 $0xFFFFF800  }
0xf8: {  	_ =	swait.ge [sflag:s14], $0x800  }
0xf9: {  	[sflag:s14] =	ssyncset.done $0x0  }
0xfa: {  	[sflag:s14] =	ssyncadd.s32 $0xFFFFF800  }
0xfb: {  	_ =	swait.ge [sflag:s14], $0x800  }
0xfc: {  	[sflag:s14] =	ssyncset.done $0x0  }
0xfd: {  	[sflag:s14] =	ssyncadd.s32 $0xFFFFF800  }
0xfe: {  	_ =	swait.ge [sflag:s14], $0x800  }
0xff: {  	[sflag:s14] =	ssyncset.done $0x0  }
0x100: {  	[sflag:s14] =	ssyncadd.s32 $0xFFFFF800  }
0x101: {  	_ =	swait.ge [sflag:s14], $0x800  }
0x102: {  	[sflag:s14] =	ssyncset.done $0x0  }
0x103: {  	[sflag:s14] =	ssyncadd.s32 $0xFFFFF800  }
0x104: {  	_ =	swait.ge [sflag:s14], $0x800  }
0x105: {  	[sflag:s14] =	ssyncset.done $0x0  }
0x106: {  	[sflag:s14] =	ssyncadd.s32 $0xFFFFF800  }
0x107: {  	_ =	swait.ge [sflag:s14], $0x800  }
0x108: {  	[sflag:s14] =	ssyncset.done $0x0  }
0x109: {  	[sflag:s14] =	ssyncadd.s32 $0xFFFFF800  }
0x10a: {  	_ =	swait.ge [sflag:s14], $0x800  }
0x10b: {  	[sflag:s14] =	ssyncset.done $0x0  }
0x10c: {  	[sflag:s14] =	ssyncadd.s32 $0xFFFFF800  }
0x10d: {  	_ =	swait.ge [sflag:s14], $0x800  }
0x10e: {  	[sflag:s14] =	ssyncset.done $0x0  }
0x10f: {  	[sflag:s14] =	ssyncadd.s32 $0xFFFFF800  }
0x110: {  	_ =	swait.ge [sflag:s14], $0x800  }
0x111: {  	[sflag:s14] =	ssyncset.done $0x0  }
0x112: {  	[sflag:s14] =	ssyncadd.s32 $0xFFFFF800  }
0x113: {  	_ =	swait.ge [sflag:s14], $0x800  }
0x114: {  	[sflag:s14] =	ssyncset.done $0x0  }
0x115: {  	[sflag:s14] =	ssyncadd.s32 $0xFFFFF800  }
0x116: {  	_ =	swait.ge [sflag:s14], $0x800  }
0x117: {  	[sflag:s14] =	ssyncset.done $0x0  }
0x118: {  	[sflag:s14] =	ssyncadd.s32 $0xFFFFF800  }
0x119: {  	_ =	swait.ge [sflag:s14], $0x800  }
0x11a: {  	[sflag:s14] =	ssyncset.done $0x0  }
0x11b: {  	[sflag:s14] =	ssyncadd.s32 $0xFFFFF800  }
0x11c: {  	_ =	swait.ge [sflag:s14], $0x800  }
0x11d: {  	[sflag:s14] =	ssyncset.done $0x0  }
0x11e: {  	[sflag:s14] =	ssyncadd.s32 $0xFFFFF800  }
0x11f: {  	_ =	swait.ge [sflag:s14], $0x800  }
0x120: {  	[sflag:s14] =	ssyncset.done $0x0  }
0x121: {  	[sflag:s14] =	ssyncadd.s32 $0xFFFFF800  }
0x122: {  	_ =	swait.ge [sflag:s14], $0x800  }
0x123: {  	[sflag:s14] =	ssyncset.done $0x0  }
0x124: {  	[sflag:s14] =	ssyncadd.s32 $0xFFFFF800  }
0x125: {  	_ =	swait.ge [sflag:s14], $0x800  }
0x126: {  	[sflag:s14] =	ssyncset.done $0x0  }
0x127: {  	[sflag:s14] =	ssyncadd.s32 $0xFFFFF800  }
0x128: {  	_ =	swait.ge [sflag:s14], $0x800  }
0x129: {  	s0 =	simm.s32 $0x1A00;
	[sflag:s14] =	ssyncset.done $0x0  }
0x12a: {  	s11 =	simm.s32 $0x0;
	s16 =	rddreg [dreg:$0x7];
	[sflag:s14] =	ssyncadd.s32 $0xFFFFF800  }
0x12b: {  	[hbm4b:s16+s11] =	stream.linear.scatter [tilespmem:s0], [sflag:$0x2], $0xD000, $0x38;
	[tilespmem:$0xEA00] =	vst v63  }
0x12c: {  	_ =	swait.ge [sflag:s10], $0xD000  }
0x12d: {  	s9 =	sadd.s32 $0x1, s9;
	s17 =	rddreg [dreg:$0x8]  }
0x12e: {  	p0 =	sne.s32 s9, s17  }
.Ltmp1:
0x12f: {  	_ = 	snop;
	(pc) =	sbr.rel @p0 .LBB2_1-.Ltmp1, $3  }
0x130: {  	_ =	sdelay $0x1  }
0x131: {  	[sflag:s10] =	ssyncset.done $0x0  }
0x132: {  	[sflag:s10] =	ssyncadd.s32 $0xFFFF3000  }
0x133: {  	_ =	sfence.sel $0x180000  }
0x134: {  	[bflag:$0x0] =	sbarrier.arrive $0xFFFF  }
0x135: {  	_ =	strace $0x90000047  }
0x136: {  	s0 =	stileid.u32;
	[bflag:$0x2] =	sbarrier.arrive $0xFFFF  }
0x137: {  	p0 =	sne.s32 s0, $0x0;
	s0 =	rddreg [dreg:$0x3]  }
0x138: {  	s0 =	sadd.s32 @!p0 $0x100000, s0  }
0x139: {  	[sflag:s0] =	ssyncadd.tile.s32 @!p0 $0x1;
	_ =	shalt  }
.Lfunc_end2:
_tile_overlayer_lowered:
.L_overlay_start_2:
0x13a: {  	(tag) =	ssettag $0x2  }
0x13b: {  	s0 =	rddreg [dreg:$0x0];
	s2 =	stileid.u32  }
0x13c: {  	s1 =	rddreg [dreg:$0x1];
	p0 =	sne.s32 s2, $0x0  }
0x13d: {  	s3 =	rddreg [dreg:$0x2];
	[bflag:$0x3] =	sbarrier.arrive $0xFFFF;
	s2 =	simm.s32 @!p0 $0x1C02  }
0x13e: {  	[timem:s3], [sflag:s2] =	dma.local @!p0 [hbm:s0], s1  }
0x13f: {  	s0 =	simm.s32 @!p0 $0x2  }
0x140: {  	_ =	swait.ge @!p0 [sflag:s0], s1  }
0x141: {  	s1 =	ssub.s32 @!p0 $0x0, s1;
	[sflag:s0] =	ssyncset.done @!p0 $0x0  }
0x142: {  	[sflag:s0] =	ssyncadd.s32 @!p0 s1  }
0x143: {  	[bflag:$0x3] =	sbarrier.arrive $0xFFFF  }
0x144: {  	_ =	shalt  }

</sc_bundles>
